<compile_context>
chip_gen: v7x
topology: tpu7x:2x2x1
jax: 0.10.2.dev20260603
libtpu: 0.0.44.dev20260713+nightly
codegen_flags: <defaults>
</compile_context>

<pallas_src>
import jax
import jax.numpy as jnp
from jax import lax
from jax.experimental import pallas as pl
from jax.experimental.pallas import tpu as pltpu
from jax.experimental.pallas import tpu_sc as plsc
import functools

TOTAL = 32768
B = 16
D = 128
LANES = 16
NC = 1
NS = 16
NW = NC * NS

SC_ROWS = 2048
ROWS_PER_W = SC_ROWS // NW
CHUNK = 64
NCHUNK = ROWS_PER_W // CHUNK
DV = D // LANES

TC_ROWS = TOTAL - SC_ROWS
TC_BLK = 10240
SC_BASE = TC_ROWS


def _sc_partial_sums(h_hbm, ptr_hbm, out_hbm, ptr_v, buf0, buf1, acc,
                     shared, ptr_s, sem0, sem1):
  cid = lax.axis_index("c")
  sid = lax.axis_index("s")
  wid = sid * NC + cid
  base = SC_BASE + wid * ROWS_PER_W
  bufs = (buf0, buf1)
  sems = (sem0, sem1)

  pending = {}
  for c in range(min(2, NCHUNK)):
    pending[c] = pltpu.async_copy(
        h_hbm.at[pl.ds(base + c * CHUNK, CHUNK)], bufs[c % 2], sems[c % 2])

  pltpu.sync_copy(ptr_hbm.at[pl.ds(0, LANES)], ptr_v)
  ptr_vec = ptr_v[...]
  for b in range(B):
    ptr_s[b] = ptr_vec[b]
  ptr_s[B] = jnp.int32(TOTAL)

  zero = jnp.zeros((LANES,), jnp.float32)
  for b in range(B):
    for j in range(DV):
      acc[b, pl.ds(j * LANES, LANES)] = zero

  @pl.when(sid == 0)
  def _():
    pltpu.sync_copy(acc, shared)

  plsc.subcore_barrier()

  for c in range(NCHUNK):
    clo = base + c * CHUNK
    buf = bufs[c % 2]
    pending[c].wait()

    def bag_body(b, _):
      s_loc = jnp.clip(ptr_s[b] - clo, 0, CHUNK)
      e_loc = jnp.clip(ptr_s[b + 1] - clo, 0, CHUNK)

      @pl.when(e_loc > s_loc)
      def _():
        @plsc.parallel_loop(s_loc, e_loc, step=1, unroll=2,
                            carry=(zero,) * DV)
        def sums(r, carry):
          return tuple(carry[j] + buf[r, pl.ds(j * LANES, LANES)]
                       for j in range(DV))
        for j in range(DV):
          acc[b, pl.ds(j * LANES, LANES)] = (
              acc[b, pl.ds(j * LANES, LANES)] + sums[j])
      return 0

    lax.fori_loop(0, B, bag_body, 0)

    if c + 2 < NCHUNK:
      pending[c + 2] = pltpu.async_copy(
          h_hbm.at[pl.ds(base + (c + 2) * CHUNK, CHUNK)], buf, sems[c % 2])

  pltpu.sync_copy(acc, shared.at[lax.iota(jnp.int32, B)], add=True)
  plsc.subcore_barrier()

  @pl.when(sid == 0)
  def _():
    pltpu.sync_copy(shared, out_hbm.at[cid])


@functools.partial(
    pl.kernel,
    out_type=jax.ShapeDtypeStruct((NC, B, D), jnp.float32),
    mesh=plsc.VectorSubcoreMesh(core_axis_name="c", subcore_axis_name="s", num_cores=1),
    scratch_types=[
        pltpu.VMEM((LANES,), jnp.int32),
        pltpu.VMEM((CHUNK, D), jnp.float32),
        pltpu.VMEM((CHUNK, D), jnp.float32),
        pltpu.VMEM((B, D), jnp.float32),
        pltpu.VMEM_SHARED((B, D), jnp.float32),
        pltpu.SMEM((B + 1,), jnp.int32),
        pltpu.SemaphoreType.DMA,
        pltpu.SemaphoreType.DMA,
    ],
)
def _partial_sums(h_hbm, ptr_hbm, out_hbm, ptr_v, buf0, buf1, acc,
                  shared, ptr_s, sem0, sem1):
  _sc_partial_sums(h_hbm, ptr_hbm, out_hbm, ptr_v, buf0, buf1, acc,
                   shared, ptr_s, sem0, sem1)


def _tc_rowsum_body(ptr_ref, h_ref, out_ref):
  i = pl.program_id(0)
  rows = (i * TC_BLK
          + jax.lax.broadcasted_iota(jnp.int32, (1, TC_BLK), 1))
  lower = jnp.stack([ptr_ref[b] for b in range(B)])[:, None]
  upper = jnp.stack([ptr_ref[b + 1] for b in range(B)])[:, None]
  mask = ((rows >= lower) & (rows < upper)).astype(jnp.float32)
  partial = jax.lax.dot_general(
      mask, h_ref[...], (((1,), (0,)), ((), ())),
      preferred_element_type=jnp.float32)

  @pl.when(i == 0)
  def _():
    out_ref[...] = jnp.zeros_like(out_ref)

  out_ref[...] += partial


def _tc_rowsum(H, bag_ptr):
  return pl.pallas_call(
      _tc_rowsum_body,
      grid=(TC_ROWS // TC_BLK,),
      in_specs=[
          pl.BlockSpec(memory_space=pltpu.SMEM),
          pl.BlockSpec((TC_BLK, D), lambda i: (i, 0)),
      ],
      out_specs=pl.BlockSpec((B, D), lambda i: (0, 0)),
      out_shape=jax.ShapeDtypeStruct((B, D), jnp.float32),
  )(bag_ptr, H)


def _combine_body(sc_ref, tc_ref, ptr_ref, out_ref):
  sums = jnp.sum(sc_ref[...], axis=0) + tc_ref[...]
  cnt = jnp.stack([ptr_ref[b + 1] - ptr_ref[b] for b in range(B)])
  denom = jnp.maximum(cnt.astype(jnp.float32), 1.0)[:, None]
  out_ref[...] = sums / denom


def kernel(H, bag_ptr):
  sc_partial = _partial_sums(H, bag_ptr)
  tc_partial = _tc_rowsum(H, bag_ptr)
  out = pl.pallas_call(
      _combine_body,
      out_shape=jax.ShapeDtypeStruct((B, D), jnp.float32),
      in_specs=[
          pl.BlockSpec(memory_space=pltpu.VMEM),
          pl.BlockSpec(memory_space=pltpu.VMEM),
          pl.BlockSpec(memory_space=pltpu.SMEM),
      ],
      out_specs=pl.BlockSpec(memory_space=pltpu.VMEM),
  )(sc_partial, tc_partial, bag_ptr)
  return out

# --- scband reference (transcript-rebuilt; emitter-appended) ---
"""Pipeline reference for scband-mean-pool-15290083574043 (READ-ONLY COPY).

The authoritative reference and input builder live on the scoring server;
editing this copy changes nothing except your own understanding.
"""

import jax, jax.numpy as jnp
import numpy as np

TOTAL = 32768
B = 16
D = 128

def setup_inputs(seed: int = 0) -> dict:
    key = jax.random.key(seed)
    k1, k2 = jax.random.split(key)
    H = jax.random.normal(k1, (TOTAL, D), dtype=jnp.float32)
    # build a valid monotonically increasing bag_ptr: starts at 0, ends at TOTAL
    inner = jnp.sort(jax.random.randint(k2, (B - 1,), 0, TOTAL + 1))
    bag_ptr = jnp.concatenate([jnp.zeros((1,), dtype=jnp.int32),
                               inner.astype(jnp.int32),
                               jnp.full((1,), TOTAL, dtype=jnp.int32)])
    return {"H": H, "bag_ptr": bag_ptr}

def reference(H, bag_ptr):
    # MeanPool: per-bag mean over contiguous slices H[bag_ptr[b]:bag_ptr[b+1]]
    n_bags = bag_ptr.shape[0] - 1
    total = H.shape[0]
    # segment id for token i is the bag b with bag_ptr[b] <= i < bag_ptr[b+1]
    seg_ids = jnp.searchsorted(bag_ptr, jnp.arange(total), side="right") - 1
    seg_ids = jnp.clip(seg_ids, 0, n_bags - 1)
    sums = jax.ops.segment_sum(H, seg_ids, num_segments=n_bags)
    counts = (bag_ptr[1:] - bag_ptr[:-1]).astype(H.dtype)
    denom = jnp.maximum(counts, 1.0)[:, None]
    return sums / denom

if __name__ == "__main__":
    import jax
    _d = setup_inputs()
    print(jax.jit(kernel)(*tuple(_d.values())))

</pallas_src>

<mosaic_0001>
#map = affine_map<(d0, d1) -> (0, 0)>
#map1 = affine_map<(d0, d1) -> (0)>
#map2 = affine_map<(d0, d1) -> (0, 0, 0)>
module attributes {stable_mosaic.version = 14 : i64} {
  func.func @_partial_sums(%arg0: i32, %arg1: i32, %arg2: memref<32768x128xf32, #tpu.memory_space<hbm>>, %arg3: memref<17xi32, #tpu.memory_space<hbm>>, %arg4: memref<1x16x128xf32, #tpu.memory_space<hbm>>, %arg5: memref<16xi32, #tpu.memory_space<vmem>>, %arg6: memref<64x128xf32, #tpu.memory_space<vmem>>, %arg7: memref<64x128xf32, #tpu.memory_space<vmem>>, %arg8: memref<16x128xf32, #tpu.memory_space<vmem>>, %arg9: memref<16x128xf32, #tpu.memory_space<vmem_shared>>, %arg10: memref<17xi32, #tpu.memory_space<smem>>, %arg11: memref<!tpu.dma_semaphore, #tpu.memory_space<semaphore_mem>>, %arg12: memref<!tpu.dma_semaphore, #tpu.memory_space<semaphore_mem>>) attributes {dimension_semantics = [#tpu.dimension_semantics<core_parallel>, #tpu.dimension_semantics<subcore_parallel>], iteration_bounds = array<i64: 1, 16>, scalar_prefetch = 0 : i64, scratch_operands = 8 : i64, tpu.core_type = #tpu.core_type<sc_vector_subcore>, window_params = [{transform_indices = #map}, {transform_indices = #map1}, {transform_indices = #map2}]} {
    %mul3A = arith.constant 1 : i32
    %mul3A_0 = arith.muli %arg1, %mul3A : i32
    %add3A = arith.addi %mul3A_0, %arg0 : i32
    %mul3A_1 = arith.constant 128 : i32
    %mul3A_2 = arith.muli %add3A, %mul3A_1 : i32
    %add3A_3 = arith.constant 30720 : i32
    %add3A_4 = arith.addi %add3A_3, %mul3A_2 : i32
    %add3A_5 = arith.constant 0 : i32
    %add3A_6 = arith.addi %add3A_4, %add3A_5 : i32
    %dma_start3A = arith.constant 0 : i32
    %dma_start3A_7 = tpu.memref_slice %arg2[%add3A_6, %dma_start3A] : memref<32768x128xf32, #tpu.memory_space<hbm>> -> memref<64x128xf32, #tpu.memory_space<hbm>>
    %dma_start3A_8 = arith.constant 0 : i32
    %dma_start3A_9 = tpu.memref_slice %arg2[%add3A_6, %dma_start3A_8] : memref<32768x128xf32, #tpu.memory_space<hbm>> -> memref<64x128xf32, #tpu.memory_space<hbm>>
    tpu.enqueue_dma source(%dma_start3A_9 : memref<64x128xf32, #tpu.memory_space<hbm>>) target(%arg6 : memref<64x128xf32, #tpu.memory_space<vmem>>) target_semaphore(%arg11 : memref<!tpu.dma_semaphore, #tpu.memory_space<semaphore_mem>>)
    %add3A_10 = arith.constant 64 : i32
    %add3A_11 = arith.addi %add3A_4, %add3A_10 : i32
    %dma_start3A_12 = arith.constant 0 : i32
    %dma_start3A_13 = tpu.memref_slice %arg2[%add3A_11, %dma_start3A_12] : memref<32768x128xf32, #tpu.memory_space<hbm>> -> memref<64x128xf32, #tpu.memory_space<hbm>>
    %dma_start3A_14 = arith.constant 0 : i32
    %dma_start3A_15 = tpu.memref_slice %arg2[%add3A_11, %dma_start3A_14] : memref<32768x128xf32, #tpu.memory_space<hbm>> -> memref<64x128xf32, #tpu.memory_space<hbm>>
    tpu.enqueue_dma source(%dma_start3A_15 : memref<64x128xf32, #tpu.memory_space<hbm>>) target(%arg7 : memref<64x128xf32, #tpu.memory_space<vmem>>) target_semaphore(%arg12 : memref<!tpu.dma_semaphore, #tpu.memory_space<semaphore_mem>>)
    "tpu.region"() ({
      %run_scoped3A = tpu.sem_alloc : memref<!tpu.dma_semaphore, #tpu.memory_space<semaphore_mem>>
      %dma_start3A_900 = arith.constant 0 : i32
      %dma_start3A_901 = tpu.memref_slice %arg3[%dma_start3A_900] : memref<17xi32, #tpu.memory_space<hbm>> -> memref<16xi32, #tpu.memory_space<hbm>>
      %dma_start3A_902 = arith.constant 0 : i32
      %dma_start3A_903 = tpu.memref_slice %arg3[%dma_start3A_902] : memref<17xi32, #tpu.memory_space<hbm>> -> memref<16xi32, #tpu.memory_space<hbm>>
      tpu.enqueue_dma source(%dma_start3A_903 : memref<16xi32, #tpu.memory_space<hbm>>) target(%arg5 : memref<16xi32, #tpu.memory_space<vmem>>) target_semaphore(%run_scoped3A : memref<!tpu.dma_semaphore, #tpu.memory_space<semaphore_mem>>)
      %dma_wait3A_904 = arith.constant 0 : i32
      %dma_wait3A_905 = tpu.memref_slice %arg3[%dma_wait3A_904] : memref<17xi32, #tpu.memory_space<hbm>> -> memref<16xi32, #tpu.memory_space<hbm>>
      %dma_wait3A_906 = arith.constant 0 : i32
      %dma_wait3A_907 = tpu.memref_slice %arg3[%dma_wait3A_906] : memref<17xi32, #tpu.memory_space<hbm>> -> memref<16xi32, #tpu.memory_space<hbm>>
      tpu.wait_dma2 semaphore(%run_scoped3A : memref<!tpu.dma_semaphore, #tpu.memory_space<semaphore_mem>>) src(%dma_wait3A_907 : memref<16xi32, #tpu.memory_space<hbm>>) dst(%arg5 : memref<16xi32, #tpu.memory_space<vmem>>)
      tpu.yield
    }) : () -> ()
    %get3A = arith.constant 0 : index
    %get3A_16 = tpu.vector_load %arg5[%get3A] {strides = array<i32>} : memref<16xi32, #tpu.memory_space<vmem>>, vector<16xi32>,
    %get3A_17 = vector.shape_cast %get3A_16 : vector<16xi32> to vector<16xi32>
    %slice3A = vector.extract_strided_slice %get3A_17 {offsets = [0], sizes = [1], strides = [1]} : vector<16xi32> to vector<1xi32>
    %squeeze3A = vector.extract %slice3A[0] : i32 from vector<1xi32>
    %swap3A = arith.constant 0 : i32
    %swap3A_18 = arith.index_cast %swap3A : i32 to index
    %swap3A_19 = memref.load %arg10[%swap3A_18] : memref<17xi32, #tpu.memory_space<smem>>
    memref.store %squeeze3A, %arg10[%swap3A_18] : memref<17xi32, #tpu.memory_space<smem>>
    %slice3A_20 = vector.extract_strided_slice %get3A_17 {offsets = [1], sizes = [1], strides = [1]} : vector<16xi32> to vector<1xi32>
    %squeeze3A_21 = vector.extract %slice3A_20[0] : i32 from vector<1xi32>
    %swap3A_22 = arith.constant 1 : i32
    %swap3A_23 = arith.index_cast %swap3A_22 : i32 to index
    %swap3A_24 = memref.load %arg10[%swap3A_23] : memref<17xi32, #tpu.memory_space<smem>>
    memref.store %squeeze3A_21, %arg10[%swap3A_23] : memref<17xi32, #tpu.memory_space<smem>>
    %slice3A_25 = vector.extract_strided_slice %get3A_17 {offsets = [2], sizes = [1], strides = [1]} : vector<16xi32> to vector<1xi32>
    %squeeze3A_26 = vector.extract %slice3A_25[0] : i32 from vector<1xi32>
    %swap3A_27 = arith.constant 2 : i32
    %swap3A_28 = arith.index_cast %swap3A_27 : i32 to index
    %swap3A_29 = memref.load %arg10[%swap3A_28] : memref<17xi32, #tpu.memory_space<smem>>
    memref.store %squeeze3A_26, %arg10[%swap3A_28] : memref<17xi32, #tpu.memory_space<smem>>
    %slice3A_30 = vector.extract_strided_slice %get3A_17 {offsets = [3], sizes = [1], strides = [1]} : vector<16xi32> to vector<1xi32>
    %squeeze3A_31 = vector.extract %slice3A_30[0] : i32 from vector<1xi32>
    %swap3A_32 = arith.constant 3 : i32
    %swap3A_33 = arith.index_cast %swap3A_32 : i32 to index
    %swap3A_34 = memref.load %arg10[%swap3A_33] : memref<17xi32, #tpu.memory_space<smem>>
    memref.store %squeeze3A_31, %arg10[%swap3A_33] : memref<17xi32, #tpu.memory_space<smem>>
    %slice3A_35 = vector.extract_strided_slice %get3A_17 {offsets = [4], sizes = [1], strides = [1]} : vector<16xi32> to vector<1xi32>
    %squeeze3A_36 = vector.extract %slice3A_35[0] : i32 from vector<1xi32>
    %swap3A_37 = arith.constant 4 : i32
    %swap3A_38 = arith.index_cast %swap3A_37 : i32 to index
    %swap3A_39 = memref.load %arg10[%swap3A_38] : memref<17xi32, #tpu.memory_space<smem>>
    memref.store %squeeze3A_36, %arg10[%swap3A_38] : memref<17xi32, #tpu.memory_space<smem>>
    %slice3A_40 = vector.extract_strided_slice %get3A_17 {offsets = [5], sizes = [1], strides = [1]} : vector<16xi32> to vector<1xi32>
    %squeeze3A_41 = vector.extract %slice3A_40[0] : i32 from vector<1xi32>
    %swap3A_42 = arith.constant 5 : i32
    %swap3A_43 = arith.index_cast %swap3A_42 : i32 to index
    %swap3A_44 = memref.load %arg10[%swap3A_43] : memref<17xi32, #tpu.memory_space<smem>>
    memref.store %squeeze3A_41, %arg10[%swap3A_43] : memref<17xi32, #tpu.memory_space<smem>>
    %slice3A_45 = vector.extract_strided_slice %get3A_17 {offsets = [6], sizes = [1], strides = [1]} : vector<16xi32> to vector<1xi32>
    %squeeze3A_46 = vector.extract %slice3A_45[0] : i32 from vector<1xi32>
    %swap3A_47 = arith.constant 6 : i32
    %swap3A_48 = arith.index_cast %swap3A_47 : i32 to index
    %swap3A_49 = memref.load %arg10[%swap3A_48] : memref<17xi32, #tpu.memory_space<smem>>
    memref.store %squeeze3A_46, %arg10[%swap3A_48] : memref<17xi32, #tpu.memory_space<smem>>
    %slice3A_50 = vector.extract_strided_slice %get3A_17 {offsets = [7], sizes = [1], strides = [1]} : vector<16xi32> to vector<1xi32>
    %squeeze3A_51 = vector.extract %slice3A_50[0] : i32 from vector<1xi32>
    %swap3A_52 = arith.constant 7 : i32
    %swap3A_53 = arith.index_cast %swap3A_52 : i32 to index
    %swap3A_54 = memref.load %arg10[%swap3A_53] : memref<17xi32, #tpu.memory_space<smem>>
    memref.store %squeeze3A_51, %arg10[%swap3A_53] : memref<17xi32, #tpu.memory_space<smem>>
    %slice3A_55 = vector.extract_strided_slice %get3A_17 {offsets = [8], sizes = [1], strides = [1]} : vector<16xi32> to vector<1xi32>
    %squeeze3A_56 = vector.extract %slice3A_55[0] : i32 from vector<1xi32>
    %swap3A_57 = arith.constant 8 : i32
    %swap3A_58 = arith.index_cast %swap3A_57 : i32 to index
    %swap3A_59 = memref.load %arg10[%swap3A_58] : memref<17xi32, #tpu.memory_space<smem>>
    memref.store %squeeze3A_56, %arg10[%swap3A_58] : memref<17xi32, #tpu.memory_space<smem>>
    %slice3A_60 = vector.extract_strided_slice %get3A_17 {offsets = [9], sizes = [1], strides = [1]} : vector<16xi32> to vector<1xi32>
    %squeeze3A_61 = vector.extract %slice3A_60[0] : i32 from vector<1xi32>
    %swap3A_62 = arith.constant 9 : i32
    %swap3A_63 = arith.index_cast %swap3A_62 : i32 to index
    %swap3A_64 = memref.load %arg10[%swap3A_63] : memref<17xi32, #tpu.memory_space<smem>>
    memref.store %squeeze3A_61, %arg10[%swap3A_63] : memref<17xi32, #tpu.memory_space<smem>>
    %slice3A_65 = vector.extract_strided_slice %get3A_17 {offsets = [10], sizes = [1], strides = [1]} : vector<16xi32> to vector<1xi32>
    %squeeze3A_66 = vector.extract %slice3A_65[0] : i32 from vector<1xi32>
    %swap3A_67 = arith.constant 10 : i32
    %swap3A_68 = arith.index_cast %swap3A_67 : i32 to index
    %swap3A_69 = memref.load %arg10[%swap3A_68] : memref<17xi32, #tpu.memory_space<smem>>
    memref.store %squeeze3A_66, %arg10[%swap3A_68] : memref<17xi32, #tpu.memory_space<smem>>
    %slice3A_70 = vector.extract_strided_slice %get3A_17 {offsets = [11], sizes = [1], strides = [1]} : vector<16xi32> to vector<1xi32>
    %squeeze3A_71 = vector.extract %slice3A_70[0] : i32 from vector<1xi32>
    %swap3A_72 = arith.constant 11 : i32
    %swap3A_73 = arith.index_cast %swap3A_72 : i32 to index
    %swap3A_74 = memref.load %arg10[%swap3A_73] : memref<17xi32, #tpu.memory_space<smem>>
    memref.store %squeeze3A_71, %arg10[%swap3A_73] : memref<17xi32, #tpu.memory_space<smem>>
    %slice3A_75 = vector.extract_strided_slice %get3A_17 {offsets = [12], sizes = [1], strides = [1]} : vector<16xi32> to vector<1xi32>
    %squeeze3A_76 = vector.extract %slice3A_75[0] : i32 from vector<1xi32>
    %swap3A_77 = arith.constant 12 : i32
    %swap3A_78 = arith.index_cast %swap3A_77 : i32 to index
    %swap3A_79 = memref.load %arg10[%swap3A_78] : memref<17xi32, #tpu.memory_space<smem>>
    memref.store %squeeze3A_76, %arg10[%swap3A_78] : memref<17xi32, #tpu.memory_space<smem>>
    %slice3A_80 = vector.extract_strided_slice %get3A_17 {offsets = [13], sizes = [1], strides = [1]} : vector<16xi32> to vector<1xi32>
    %squeeze3A_81 = vector.extract %slice3A_80[0] : i32 from vector<1xi32>
    %swap3A_82 = arith.constant 13 : i32
    %swap3A_83 = arith.index_cast %swap3A_82 : i32 to index
    %swap3A_84 = memref.load %arg10[%swap3A_83] : memref<17xi32, #tpu.memory_space<smem>>
    memref.store %squeeze3A_81, %arg10[%swap3A_83] : memref<17xi32, #tpu.memory_space<smem>>
    %slice3A_85 = vector.extract_strided_slice %get3A_17 {offsets = [14], sizes = [1], strides = [1]} : vector<16xi32> to vector<1xi32>
    %squeeze3A_86 = vector.extract %slice3A_85[0] : i32 from vector<1xi32>
    %swap3A_87 = arith.constant 14 : i32
    %swap3A_88 = arith.index_cast %swap3A_87 : i32 to index
    %swap3A_89 = memref.load %arg10[%swap3A_88] : memref<17xi32, #tpu.memory_space<smem>>
    memref.store %squeeze3A_86, %arg10[%swap3A_88] : memref<17xi32, #tpu.memory_space<smem>>
    %slice3A_90 = vector.extract_strided_slice %get3A_17 {offsets = [15], sizes = [1], strides = [1]} : vector<16xi32> to vector<1xi32>
    %squeeze3A_91 = vector.extract %slice3A_90[0] : i32 from vector<1xi32>
    %swap3A_92 = arith.constant 15 : i32
    %swap3A_93 = arith.index_cast %swap3A_92 : i32 to index
    %swap3A_94 = memref.load %arg10[%swap3A_93] : memref<17xi32, #tpu.memory_space<smem>>
    memref.store %squeeze3A_91, %arg10[%swap3A_93] : memref<17xi32, #tpu.memory_space<smem>>
    %swap3A_95 = arith.constant 32768 : i32
    %swap3A_96 = arith.constant 16 : i32
    %swap3A_97 = arith.index_cast %swap3A_96 : i32 to index
    %swap3A_98 = memref.load %arg10[%swap3A_97] : memref<17xi32, #tpu.memory_space<smem>>
    memref.store %swap3A_95, %arg10[%swap3A_97] : memref<17xi32, #tpu.memory_space<smem>>
    %broadcast_in_dim3A = arith.constant 0.000000e+00 : f32
    %broadcast_in_dim3A_99 = vector.broadcast %broadcast_in_dim3A : f32 to vector<16xf32>
    %swap3A_100 = arith.constant 0 : i32
    %swap3A_101 = arith.index_cast %swap3A_100 : i32 to index
    %swap3A_102 = arith.constant 0 : index
    %swap3A_103 = tpu.vector_load %arg8[%swap3A_101, %swap3A_102] {strides = array<i32>} : memref<16x128xf32, #tpu.memory_space<vmem>>, vector<1x16xf32>,
    %swap3A_104 = vector.shape_cast %swap3A_103 : vector<1x16xf32> to vector<16xf32>
    %swap3A_105 = vector.shape_cast %broadcast_in_dim3A_99 : vector<16xf32> to vector<1x16xf32>
    tpu.vector_store %arg8[%swap3A_101, %swap3A_102], %swap3A_105 {strides = array<i32>} : memref<16x128xf32, #tpu.memory_space<vmem>>, vector<1x16xf32>,
    %swap3A_106 = arith.constant 0 : i32
    %swap3A_107 = arith.index_cast %swap3A_106 : i32 to index
    %swap3A_108 = arith.constant 16 : index
    %swap3A_109 = tpu.vector_load %arg8[%swap3A_107, %swap3A_108] {strides = array<i32>} : memref<16x128xf32, #tpu.memory_space<vmem>>, vector<1x16xf32>,
    %swap3A_110 = vector.shape_cast %swap3A_109 : vector<1x16xf32> to vector<16xf32>
    %swap3A_111 = vector.shape_cast %broadcast_in_dim3A_99 : vector<16xf32> to vector<1x16xf32>
    tpu.vector_store %arg8[%swap3A_107, %swap3A_108], %swap3A_111 {strides = array<i32>} : memref<16x128xf32, #tpu.memory_space<vmem>>, vector<1x16xf32>,
    %swap3A_112 = arith.constant 0 : i32
    %swap3A_113 = arith.index_cast %swap3A_112 : i32 to index
    %swap3A_114 = arith.constant 32 : index
    %swap3A_115 = tpu.vector_load %arg8[%swap3A_113, %swap3A_114] {strides = array<i32>} : memref<16x128xf32, #tpu.memory_space<vmem>>, vector<1x16xf32>,
    %swap3A_116 = vector.shape_cast %swap3A_115 : vector<1x16xf32> to vector<16xf32>
    %swap3A_117 = vector.shape_cast %broadcast_in_dim3A_99 : vector<16xf32> to vector<1x16xf32>
    tpu.vector_store %arg8[%swap3A_113, %swap3A_114], %swap3A_117 {strides = array<i32>} : memref<16x128xf32, #tpu.memory_space<vmem>>, vector<1x16xf32>,
    %swap3A_118 = arith.constant 0 : i32
    %swap3A_119 = arith.index_cast %swap3A_118 : i32 to index
    %swap3A_120 = arith.constant 48 : index
    %swap3A_121 = tpu.vector_load %arg8[%swap3A_119, %swap3A_120] {strides = array<i32>} : memref<16x128xf32, #tpu.memory_space<vmem>>, vector<1x16xf32>,
    %swap3A_122 = vector.shape_cast %swap3A_121 : vector<1x16xf32> to vector<16xf32>
    %swap3A_123 = vector.shape_cast %broadcast_in_dim3A_99 : vector<16xf32> to vector<1x16xf32>
    tpu.vector_store %arg8[%swap3A_119, %swap3A_120], %swap3A_123 {strides = array<i32>} : memref<16x128xf32, #tpu.memory_space<vmem>>, vector<1x16xf32>,
    %swap3A_124 = arith.constant 0 : i32
    %swap3A_125 = arith.index_cast %swap3A_124 : i32 to index
    %swap3A_126 = arith.constant 64 : index
    %swap3A_127 = tpu.vector_load %arg8[%swap3A_125, %swap3A_126] {strides = array<i32>} : memref<16x128xf32, #tpu.memory_space<vmem>>, vector<1x16xf32>,
    %swap3A_128 = vector.shape_cast %swap3A_127 : vector<1x16xf32> to vector<16xf32>
    %swap3A_129 = vector.shape_cast %broadcast_in_dim3A_99 : vector<16xf32> to vector<1x16xf32>
    tpu.vector_store %arg8[%swap3A_125, %swap3A_126], %swap3A_129 {strides = array<i32>} : memref<16x128xf32, #tpu.memory_space<vmem>>, vector<1x16xf32>,
    %swap3A_130 = arith.constant 0 : i32
    %swap3A_131 = arith.index_cast %swap3A_130 : i32 to index
    %swap3A_132 = arith.constant 80 : index
    %swap3A_133 = tpu.vector_load %arg8[%swap3A_131, %swap3A_132] {strides = array<i32>} : memref<16x128xf32, #tpu.memory_space<vmem>>, vector<1x16xf32>,
    %swap3A_134 = vector.shape_cast %swap3A_133 : vector<1x16xf32> to vector<16xf32>
    %swap3A_135 = vector.shape_cast %broadcast_in_dim3A_99 : vector<16xf32> to vector<1x16xf32>
    tpu.vector_store %arg8[%swap3A_131, %swap3A_132], %swap3A_135 {strides = array<i32>} : memref<16x128xf32, #tpu.memory_space<vmem>>, vector<1x16xf32>,
    %swap3A_136 = arith.constant 0 : i32
    %swap3A_137 = arith.index_cast %swap3A_136 : i32 to index
    %swap3A_138 = arith.constant 96 : index
    %swap3A_139 = tpu.vector_load %arg8[%swap3A_137, %swap3A_138] {strides = array<i32>} : memref<16x128xf32, #tpu.memory_space<vmem>>, vector<1x16xf32>,
    %swap3A_140 = vector.shape_cast %swap3A_139 : vector<1x16xf32> to vector<16xf32>
    %swap3A_141 = vector.shape_cast %broadcast_in_dim3A_99 : vector<16xf32> to vector<1x16xf32>
    tpu.vector_store %arg8[%swap3A_137, %swap3A_138], %swap3A_141 {strides = array<i32>} : memref<16x128xf32, #tpu.memory_space<vmem>>, vector<1x16xf32>,
    %swap3A_142 = arith.constant 0 : i32
    %swap3A_143 = arith.index_cast %swap3A_142 : i32 to index
    %swap3A_144 = arith.constant 112 : index
    %swap3A_145 = tpu.vector_load %arg8[%swap3A_143, %swap3A_144] {strides = array<i32>} : memref<16x128xf32, #tpu.memory_space<vmem>>, vector<1x16xf32>,
    %swap3A_146 = vector.shape_cast %swap3A_145 : vector<1x16xf32> to vector<16xf32>
    %swap3A_147 = vector.shape_cast %broadcast_in_dim3A_99 : vector<16xf32> to vector<1x16xf32>
    tpu.vector_store %arg8[%swap3A_143, %swap3A_144], %swap3A_147 {strides = array<i32>} : memref<16x128xf32, #tpu.memory_space<vmem>>, vector<1x16xf32>,
    %swap3A_148 = arith.constant 1 : i32
    %swap3A_149 = arith.index_cast %swap3A_148 : i32 to index
    %swap3A_150 = arith.constant 0 : index
    %swap3A_151 = tpu.vector_load %arg8[%swap3A_149, %swap3A_150] {strides = array<i32>} : memref<16x128xf32, #tpu.memory_space<vmem>>, vector<1x16xf32>,
    %swap3A_152 = vector.shape_cast %swap3A_151 : vector<1x16xf32> to vector<16xf32>
    %swap3A_153 = vector.shape_cast %broadcast_in_dim3A_99 : vector<16xf32> to vector<1x16xf32>
    tpu.vector_store %arg8[%swap3A_149, %swap3A_150], %swap3A_153 {strides = array<i32>} : memref<16x128xf32, #tpu.memory_space<vmem>>, vector<1x16xf32>,
    %swap3A_154 = arith.constant 1 : i32
    %swap3A_155 = arith.index_cast %swap3A_154 : i32 to index
    %swap3A_156 = arith.constant 16 : index
    %swap3A_157 = tpu.vector_load %arg8[%swap3A_155, %swap3A_156] {strides = array<i32>} : memref<16x128xf32, #tpu.memory_space<vmem>>, vector<1x16xf32>,
    %swap3A_158 = vector.shape_cast %swap3A_157 : vector<1x16xf32> to vector<16xf32>
    %swap3A_159 = vector.shape_cast %broadcast_in_dim3A_99 : vector<16xf32> to vector<1x16xf32>
    tpu.vector_store %arg8[%swap3A_155, %swap3A_156], %swap3A_159 {strides = array<i32>} : memref<16x128xf32, #tpu.memory_space<vmem>>, vector<1x16xf32>,
    %swap3A_160 = arith.constant 1 : i32
    %swap3A_161 = arith.index_cast %swap3A_160 : i32 to index
    %swap3A_162 = arith.constant 32 : index
    %swap3A_163 = tpu.vector_load %arg8[%swap3A_161, %swap3A_162] {strides = array<i32>} : memref<16x128xf32, #tpu.memory_space<vmem>>, vector<1x16xf32>,
    %swap3A_164 = vector.shape_cast %swap3A_163 : vector<1x16xf32> to vector<16xf32>
    %swap3A_165 = vector.shape_cast %broadcast_in_dim3A_99 : vector<16xf32> to vector<1x16xf32>
    tpu.vector_store %arg8[%swap3A_161, %swap3A_162], %swap3A_165 {strides = array<i32>} : memref<16x128xf32, #tpu.memory_space<vmem>>, vector<1x16xf32>,
    %swap3A_166 = arith.constant 1 : i32
    %swap3A_167 = arith.index_cast %swap3A_166 : i32 to index
    %swap3A_168 = arith.constant 48 : index
    %swap3A_169 = tpu.vector_load %arg8[%swap3A_167, %swap3A_168] {strides = array<i32>} : memref<16x128xf32, #tpu.memory_space<vmem>>, vector<1x16xf32>,
    %swap3A_170 = vector.shape_cast %swap3A_169 : vector<1x16xf32> to vector<16xf32>
    %swap3A_171 = vector.shape_cast %broadcast_in_dim3A_99 : vector<16xf32> to vector<1x16xf32>
    tpu.vector_store %arg8[%swap3A_167, %swap3A_168], %swap3A_171 {strides = array<i32>} : memref<16x128xf32, #tpu.memory_space<vmem>>, vector<1x16xf32>,
    %swap3A_172 = arith.constant 1 : i32
    %swap3A_173 = arith.index_cast %swap3A_172 : i32 to index
    %swap3A_174 = arith.constant 64 : index
    %swap3A_175 = tpu.vector_load %arg8[%swap3A_173, %swap3A_174] {strides = array<i32>} : memref<16x128xf32, #tpu.memory_space<vmem>>, vector<1x16xf32>,
    %swap3A_176 = vector.shape_cast %swap3A_175 : vector<1x16xf32> to vector<16xf32>
    %swap3A_177 = vector.shape_cast %broadcast_in_dim3A_99 : vector<16xf32> to vector<1x16xf32>
    tpu.vector_store %arg8[%swap3A_173, %swap3A_174], %swap3A_177 {strides = array<i32>} : memref<16x128xf32, #tpu.memory_space<vmem>>, vector<1x16xf32>,
    %swap3A_178 = arith.constant 1 : i32
    %swap3A_179 = arith.index_cast %swap3A_178 : i32 to index
    %swap3A_180 = arith.constant 80 : index
    %swap3A_181 = tpu.vector_load %arg8[%swap3A_179, %swap3A_180] {strides = array<i32>} : memref<16x128xf32, #tpu.memory_space<vmem>>, vector<1x16xf32>,
    %swap3A_182 = vector.shape_cast %swap3A_181 : vector<1x16xf32> to vector<16xf32>
    %swap3A_183 = vector.shape_cast %broadcast_in_dim3A_99 : vector<16xf32> to vector<1x16xf32>
    tpu.vector_store %arg8[%swap3A_179, %swap3A_180], %swap3A_183 {strides = array<i32>} : memref<16x128xf32, #tpu.memory_space<vmem>>, vector<1x16xf32>,
    %swap3A_184 = arith.constant 1 : i32
    %swap3A_185 = arith.index_cast %swap3A_184 : i32 to index
    %swap3A_186 = arith.constant 96 : index
    %swap3A_187 = tpu.vector_load %arg8[%swap3A_185, %swap3A_186] {strides = array<i32>} : memref<16x128xf32, #tpu.memory_space<vmem>>, vector<1x16xf32>,
    %swap3A_188 = vector.shape_cast %swap3A_187 : vector<1x16xf32> to vector<16xf32>
    %swap3A_189 = vector.shape_cast %broadcast_in_dim3A_99 : vector<16xf32> to vector<1x16xf32>
    tpu.vector_store %arg8[%swap3A_185, %swap3A_186], %swap3A_189 {strides = array<i32>} : memref<16x128xf32, #tpu.memory_space<vmem>>, vector<1x16xf32>,
    %swap3A_190 = arith.constant 1 : i32
    %swap3A_191 = arith.index_cast %swap3A_190 : i32 to index
    %swap3A_192 = arith.constant 112 : index
    %swap3A_193 = tpu.vector_load %arg8[%swap3A_191, %swap3A_192] {strides = array<i32>} : memref<16x128xf32, #tpu.memory_space<vmem>>, vector<1x16xf32>,
    %swap3A_194 = vector.shape_cast %swap3A_193 : vector<1x16xf32> to vector<16xf32>
    %swap3A_195 = vector.shape_cast %broadcast_in_dim3A_99 : vector<16xf32> to vector<1x16xf32>
    tpu.vector_store %arg8[%swap3A_191, %swap3A_192], %swap3A_195 {strides = array<i32>} : memref<16x128xf32, #tpu.memory_space<vmem>>, vector<1x16xf32>,
    %swap3A_196 = arith.constant 2 : i32
    %swap3A_197 = arith.index_cast %swap3A_196 : i32 to index
    %swap3A_198 = arith.constant 0 : index
    %swap3A_199 = tpu.vector_load %arg8[%swap3A_197, %swap3A_198] {strides = array<i32>} : memref<16x128xf32, #tpu.memory_space<vmem>>, vector<1x16xf32>,
    %swap3A_200 = vector.shape_cast %swap3A_199 : vector<1x16xf32> to vector<16xf32>
    %swap3A_201 = vector.shape_cast %broadcast_in_dim3A_99 : vector<16xf32> to vector<1x16xf32>
    tpu.vector_store %arg8[%swap3A_197, %swap3A_198], %swap3A_201 {strides = array<i32>} : memref<16x128xf32, #tpu.memory_space<vmem>>, vector<1x16xf32>,
    %swap3A_202 = arith.constant 2 : i32
    %swap3A_203 = arith.index_cast %swap3A_202 : i32 to index
    %swap3A_204 = arith.constant 16 : index
    %swap3A_205 = tpu.vector_load %arg8[%swap3A_203, %swap3A_204] {strides = array<i32>} : memref<16x128xf32, #tpu.memory_space<vmem>>, vector<1x16xf32>,
    %swap3A_206 = vector.shape_cast %swap3A_205 : vector<1x16xf32> to vector<16xf32>
    %swap3A_207 = vector.shape_cast %broadcast_in_dim3A_99 : vector<16xf32> to vector<1x16xf32>
    tpu.vector_store %arg8[%swap3A_203, %swap3A_204], %swap3A_207 {strides = array<i32>} : memref<16x128xf32, #tpu.memory_space<vmem>>, vector<1x16xf32>,
    %swap3A_208 = arith.constant 2 : i32
    %swap3A_209 = arith.index_cast %swap3A_208 : i32 to index
    %swap3A_210 = arith.constant 32 : index
    %swap3A_211 = tpu.vector_load %arg8[%swap3A_209, %swap3A_210] {strides = array<i32>} : memref<16x128xf32, #tpu.memory_space<vmem>>, vector<1x16xf32>,
    %swap3A_212 = vector.shape_cast %swap3A_211 : vector<1x16xf32> to vector<16xf32>
    %swap3A_213 = vector.shape_cast %broadcast_in_dim3A_99 : vector<16xf32> to vector<1x16xf32>
    tpu.vector_store %arg8[%swap3A_209, %swap3A_210], %swap3A_213 {strides = array<i32>} : memref<16x128xf32, #tpu.memory_space<vmem>>, vector<1x16xf32>,
    %swap3A_214 = arith.constant 2 : i32
    %swap3A_215 = arith.index_cast %swap3A_214 : i32 to index
    %swap3A_216 = arith.constant 48 : index
    %swap3A_217 = tpu.vector_load %arg8[%swap3A_215, %swap3A_216] {strides = array<i32>} : memref<16x128xf32, #tpu.memory_space<vmem>>, vector<1x16xf32>,
    %swap3A_218 = vector.shape_cast %swap3A_217 : vector<1x16xf32> to vector<16xf32>
    %swap3A_219 = vector.shape_cast %broadcast_in_dim3A_99 : vector<16xf32> to vector<1x16xf32>
    tpu.vector_store %arg8[%swap3A_215, %swap3A_216], %swap3A_219 {strides = array<i32>} : memref<16x128xf32, #tpu.memory_space<vmem>>, vector<1x16xf32>,
    %swap3A_220 = arith.constant 2 : i32
    %swap3A_221 = arith.index_cast %swap3A_220 : i32 to index
    %swap3A_222 = arith.constant 64 : index
    %swap3A_223 = tpu.vector_load %arg8[%swap3A_221, %swap3A_222] {strides = array<i32>} : memref<16x128xf32, #tpu.memory_space<vmem>>, vector<1x16xf32>,
    %swap3A_224 = vector.shape_cast %swap3A_223 : vector<1x16xf32> to vector<16xf32>
    %swap3A_225 = vector.shape_cast %broadcast_in_dim3A_99 : vector<16xf32> to vector<1x16xf32>
    tpu.vector_store %arg8[%swap3A_221, %swap3A_222], %swap3A_225 {strides = array<i32>} : memref<16x128xf32, #tpu.memory_space<vmem>>, vector<1x16xf32>,
    %swap3A_226 = arith.constant 2 : i32
    %swap3A_227 = arith.index_cast %swap3A_226 : i32 to index
    %swap3A_228 = arith.constant 80 : index
    %swap3A_229 = tpu.vector_load %arg8[%swap3A_227, %swap3A_228] {strides = array<i32>} : memref<16x128xf32, #tpu.memory_space<vmem>>, vector<1x16xf32>,
    %swap3A_230 = vector.shape_cast %swap3A_229 : vector<1x16xf32> to vector<16xf32>
    %swap3A_231 = vector.shape_cast %broadcast_in_dim3A_99 : vector<16xf32> to vector<1x16xf32>
    tpu.vector_store %arg8[%swap3A_227, %swap3A_228], %swap3A_231 {strides = array<i32>} : memref<16x128xf32, #tpu.memory_space<vmem>>, vector<1x16xf32>,
    %swap3A_232 = arith.constant 2 : i32
    %swap3A_233 = arith.index_cast %swap3A_232 : i32 to index
    %swap3A_234 = arith.constant 96 : index
    %swap3A_235 = tpu.vector_load %arg8[%swap3A_233, %swap3A_234] {strides = array<i32>} : memref<16x128xf32, #tpu.memory_space<vmem>>, vector<1x16xf32>,
    %swap3A_236 = vector.shape_cast %swap3A_235 : vector<1x16xf32> to vector<16xf32>
    %swap3A_237 = vector.shape_cast %broadcast_in_dim3A_99 : vector<16xf32> to vector<1x16xf32>
    tpu.vector_store %arg8[%swap3A_233, %swap3A_234], %swap3A_237 {strides = array<i32>} : memref<16x128xf32, #tpu.memory_space<vmem>>, vector<1x16xf32>,
    %swap3A_238 = arith.constant 2 : i32
    %swap3A_239 = arith.index_cast %swap3A_238 : i32 to index
    %swap3A_240 = arith.constant 112 : index
    %swap3A_241 = tpu.vector_load %arg8[%swap3A_239, %swap3A_240] {strides = array<i32>} : memref<16x128xf32, #tpu.memory_space<vmem>>, vector<1x16xf32>,
    %swap3A_242 = vector.shape_cast %swap3A_241 : vector<1x16xf32> to vector<16xf32>
    %swap3A_243 = vector.shape_cast %broadcast_in_dim3A_99 : vector<16xf32> to vector<1x16xf32>
    tpu.vector_store %arg8[%swap3A_239, %swap3A_240], %swap3A_243 {strides = array<i32>} : memref<16x128xf32, #tpu.memory_space<vmem>>, vector<1x16xf32>,
    %swap3A_244 = arith.constant 3 : i32
    %swap3A_245 = arith.index_cast %swap3A_244 : i32 to index
    %swap3A_246 = arith.constant 0 : index
    %swap3A_247 = tpu.vector_load %arg8[%swap3A_245, %swap3A_246] {strides = array<i32>} : memref<16x128xf32, #tpu.memory_space<vmem>>, vector<1x16xf32>,
    %swap3A_248 = vector.shape_cast %swap3A_247 : vector<1x16xf32> to vector<16xf32>
    %swap3A_249 = vector.shape_cast %broadcast_in_dim3A_99 : vector<16xf32> to vector<1x16xf32>
    tpu.vector_store %arg8[%swap3A_245, %swap3A_246], %swap3A_249 {strides = array<i32>} : memref<16x128xf32, #tpu.memory_space<vmem>>, vector<1x16xf32>,
    %swap3A_250 = arith.constant 3 : i32
    %swap3A_251 = arith.index_cast %swap3A_250 : i32 to index
    %swap3A_252 = arith.constant 16 : index
    %swap3A_253 = tpu.vector_load %arg8[%swap3A_251, %swap3A_252] {strides = array<i32>} : memref<16x128xf32, #tpu.memory_space<vmem>>, vector<1x16xf32>,
    %swap3A_254 = vector.shape_cast %swap3A_253 : vector<1x16xf32> to vector<16xf32>
    %swap3A_255 = vector.shape_cast %broadcast_in_dim3A_99 : vector<16xf32> to vector<1x16xf32>
    tpu.vector_store %arg8[%swap3A_251, %swap3A_252], %swap3A_255 {strides = array<i32>} : memref<16x128xf32, #tpu.memory_space<vmem>>, vector<1x16xf32>,
    %swap3A_256 = arith.constant 3 : i32
    %swap3A_257 = arith.index_cast %swap3A_256 : i32 to index
    %swap3A_258 = arith.constant 32 : index
    %swap3A_259 = tpu.vector_load %arg8[%swap3A_257, %swap3A_258] {strides = array<i32>} : memref<16x128xf32, #tpu.memory_space<vmem>>, vector<1x16xf32>,
    %swap3A_260 = vector.shape_cast %swap3A_259 : vector<1x16xf32> to vector<16xf32>
    %swap3A_261 = vector.shape_cast %broadcast_in_dim3A_99 : vector<16xf32> to vector<1x16xf32>
    tpu.vector_store %arg8[%swap3A_257, %swap3A_258], %swap3A_261 {strides = array<i32>} : memref<16x128xf32, #tpu.memory_space<vmem>>, vector<1x16xf32>,
    %swap3A_262 = arith.constant 3 : i32
    %swap3A_263 = arith.index_cast %swap3A_262 : i32 to index
    %swap3A_264 = arith.constant 48 : index
    %swap3A_265 = tpu.vector_load %arg8[%swap3A_263, %swap3A_264] {strides = array<i32>} : memref<16x128xf32, #tpu.memory_space<vmem>>, vector<1x16xf32>,
    %swap3A_266 = vector.shape_cast %swap3A_265 : vector<1x16xf32> to vector<16xf32>
    %swap3A_267 = vector.shape_cast %broadcast_in_dim3A_99 : vector<16xf32> to vector<1x16xf32>
    tpu.vector_store %arg8[%swap3A_263, %swap3A_264], %swap3A_267 {strides = array<i32>} : memref<16x128xf32, #tpu.memory_space<vmem>>, vector<1x16xf32>,
    %swap3A_268 = arith.constant 3 : i32
    %swap3A_269 = arith.index_cast %swap3A_268 : i32 to index
    %swap3A_270 = arith.constant 64 : index
    %swap3A_271 = tpu.vector_load %arg8[%swap3A_269, %swap3A_270] {strides = array<i32>} : memref<16x128xf32, #tpu.memory_space<vmem>>, vector<1x16xf32>,
    %swap3A_272 = vector.shape_cast %swap3A_271 : vector<1x16xf32> to vector<16xf32>
    %swap3A_273 = vector.shape_cast %broadcast_in_dim3A_99 : vector<16xf32> to vector<1x16xf32>
    tpu.vector_store %arg8[%swap3A_269, %swap3A_270], %swap3A_273 {strides = array<i32>} : memref<16x128xf32, #tpu.memory_space<vmem>>, vector<1x16xf32>,
    %swap3A_274 = arith.constant 3 : i32
    %swap3A_275 = arith.index_cast %swap3A_274 : i32 to index
    %swap3A_276 = arith.constant 80 : index
    %swap3A_277 = tpu.vector_load %arg8[%swap3A_275, %swap3A_276] {strides = array<i32>} : memref<16x128xf32, #tpu.memory_space<vmem>>, vector<1x16xf32>,
    %swap3A_278 = vector.shape_cast %swap3A_277 : vector<1x16xf32> to vector<16xf32>
    %swap3A_279 = vector.shape_cast %broadcast_in_dim3A_99 : vector<16xf32> to vector<1x16xf32>
    tpu.vector_store %arg8[%swap3A_275, %swap3A_276], %swap3A_279 {strides = array<i32>} : memref<16x128xf32, #tpu.memory_space<vmem>>, vector<1x16xf32>,
    %swap3A_280 = arith.constant 3 : i32
    %swap3A_281 = arith.index_cast %swap3A_280 : i32 to index
    %swap3A_282 = arith.constant 96 : index
    %swap3A_283 = tpu.vector_load %arg8[%swap3A_281, %swap3A_282] {strides = array<i32>} : memref<16x128xf32, #tpu.memory_space<vmem>>, vector<1x16xf32>,
    %swap3A_284 = vector.shape_cast %swap3A_283 : vector<1x16xf32> to vector<16xf32>
    %swap3A_285 = vector.shape_cast %broadcast_in_dim3A_99 : vector<16xf32> to vector<1x16xf32>
    tpu.vector_store %arg8[%swap3A_281, %swap3A_282], %swap3A_285 {strides = array<i32>} : memref<16x128xf32, #tpu.memory_space<vmem>>, vector<1x16xf32>,
    %swap3A_286 = arith.constant 3 : i32
    %swap3A_287 = arith.index_cast %swap3A_286 : i32 to index
    %swap3A_288 = arith.constant 112 : index
    %swap3A_289 = tpu.vector_load %arg8[%swap3A_287, %swap3A_288] {strides = array<i32>} : memref<16x128xf32, #tpu.memory_space<vmem>>, vector<1x16xf32>,
    %swap3A_290 = vector.shape_cast %swap3A_289 : vector<1x16xf32> to vector<16xf32>
    %swap3A_291 = vector.shape_cast %broadcast_in_dim3A_99 : vector<16xf32> to vector<1x16xf32>
    tpu.vector_store %arg8[%swap3A_287, %swap3A_288], %swap3A_291 {strides = array<i32>} : memref<16x128xf32, #tpu.memory_space<vmem>>, vector<1x16xf32>,
    %swap3A_292 = arith.constant 4 : i32
    %swap3A_293 = arith.index_cast %swap3A_292 : i32 to index
    %swap3A_294 = arith.constant 0 : index
    %swap3A_295 = tpu.vector_load %arg8[%swap3A_293, %swap3A_294] {strides = array<i32>} : memref<16x128xf32, #tpu.memory_space<vmem>>, vector<1x16xf32>,
    %swap3A_296 = vector.shape_cast %swap3A_295 : vector<1x16xf32> to vector<16xf32>
    %swap3A_297 = vector.shape_cast %broadcast_in_dim3A_99 : vector<16xf32> to vector<1x16xf32>
    tpu.vector_store %arg8[%swap3A_293, %swap3A_294], %swap3A_297 {strides = array<i32>} : memref<16x128xf32, #tpu.memory_space<vmem>>, vector<1x16xf32>,
    %swap3A_298 = arith.constant 4 : i32
    %swap3A_299 = arith.index_cast %swap3A_298 : i32 to index
    %swap3A_300 = arith.constant 16 : index
    %swap3A_301 = tpu.vector_load %arg8[%swap3A_299, %swap3A_300] {strides = array<i32>} : memref<16x128xf32, #tpu.memory_space<vmem>>, vector<1x16xf32>,
    %swap3A_302 = vector.shape_cast %swap3A_301 : vector<1x16xf32> to vector<16xf32>
    %swap3A_303 = vector.shape_cast %broadcast_in_dim3A_99 : vector<16xf32> to vector<1x16xf32>
    tpu.vector_store %arg8[%swap3A_299, %swap3A_300], %swap3A_303 {strides = array<i32>} : memref<16x128xf32, #tpu.memory_space<vmem>>, vector<1x16xf32>,
    %swap3A_304 = arith.constant 4 : i32
    %swap3A_305 = arith.index_cast %swap3A_304 : i32 to index
    %swap3A_306 = arith.constant 32 : index
    %swap3A_307 = tpu.vector_load %arg8[%swap3A_305, %swap3A_306] {strides = array<i32>} : memref<16x128xf32, #tpu.memory_space<vmem>>, vector<1x16xf32>,
    %swap3A_308 = vector.shape_cast %swap3A_307 : vector<1x16xf32> to vector<16xf32>
    %swap3A_309 = vector.shape_cast %broadcast_in_dim3A_99 : vector<16xf32> to vector<1x16xf32>
    tpu.vector_store %arg8[%swap3A_305, %swap3A_306], %swap3A_309 {strides = array<i32>} : memref<16x128xf32, #tpu.memory_space<vmem>>, vector<1x16xf32>,
    %swap3A_310 = arith.constant 4 : i32
    %swap3A_311 = arith.index_cast %swap3A_310 : i32 to index
    %swap3A_312 = arith.constant 48 : index
    %swap3A_313 = tpu.vector_load %arg8[%swap3A_311, %swap3A_312] {strides = array<i32>} : memref<16x128xf32, #tpu.memory_space<vmem>>, vector<1x16xf32>,
    %swap3A_314 = vector.shape_cast %swap3A_313 : vector<1x16xf32> to vector<16xf32>
    %swap3A_315 = vector.shape_cast %broadcast_in_dim3A_99 : vector<16xf32> to vector<1x16xf32>
    tpu.vector_store %arg8[%swap3A_311, %swap3A_312], %swap3A_315 {strides = array<i32>} : memref<16x128xf32, #tpu.memory_space<vmem>>, vector<1x16xf32>,
    %swap3A_316 = arith.constant 4 : i32
    %swap3A_317 = arith.index_cast %swap3A_316 : i32 to index
    %swap3A_318 = arith.constant 64 : index
    %swap3A_319 = tpu.vector_load %arg8[%swap3A_317, %swap3A_318] {strides = array<i32>} : memref<16x128xf32, #tpu.memory_space<vmem>>, vector<1x16xf32>,
    %swap3A_320 = vector.shape_cast %swap3A_319 : vector<1x16xf32> to vector<16xf32>
    %swap3A_321 = vector.shape_cast %broadcast_in_dim3A_99 : vector<16xf32> to vector<1x16xf32>
    tpu.vector_store %arg8[%swap3A_317, %swap3A_318], %swap3A_321 {strides = array<i32>} : memref<16x128xf32, #tpu.memory_space<vmem>>, vector<1x16xf32>,
    %swap3A_322 = arith.constant 4 : i32
    %swap3A_323 = arith.index_cast %swap3A_322 : i32 to index
    %swap3A_324 = arith.constant 80 : index
    %swap3A_325 = tpu.vector_load %arg8[%swap3A_323, %swap3A_324] {strides = array<i32>} : memref<16x128xf32, #tpu.memory_space<vmem>>, vector<1x16xf32>,
    %swap3A_326 = vector.shape_cast %swap3A_325 : vector<1x16xf32> to vector<16xf32>
    %swap3A_327 = vector.shape_cast %broadcast_in_dim3A_99 : vector<16xf32> to vector<1x16xf32>
    tpu.vector_store %arg8[%swap3A_323, %swap3A_324], %swap3A_327 {strides = array<i32>} : memref<16x128xf32, #tpu.memory_space<vmem>>, vector<1x16xf32>,
    %swap3A_328 = arith.constant 4 : i32
    %swap3A_329 = arith.index_cast %swap3A_328 : i32 to index
    %swap3A_330 = arith.constant 96 : index
    %swap3A_331 = tpu.vector_load %arg8[%swap3A_329, %swap3A_330] {strides = array<i32>} : memref<16x128xf32, #tpu.memory_space<vmem>>, vector<1x16xf32>,
    %swap3A_332 = vector.shape_cast %swap3A_331 : vector<1x16xf32> to vector<16xf32>
    %swap3A_333 = vector.shape_cast %broadcast_in_dim3A_99 : vector<16xf32> to vector<1x16xf32>
    tpu.vector_store %arg8[%swap3A_329, %swap3A_330], %swap3A_333 {strides = array<i32>} : memref<16x128xf32, #tpu.memory_space<vmem>>, vector<1x16xf32>,
    %swap3A_334 = arith.constant 4 : i32
    %swap3A_335 = arith.index_cast %swap3A_334 : i32 to index
    %swap3A_336 = arith.constant 112 : index
    %swap3A_337 = tpu.vector_load %arg8[%swap3A_335, %swap3A_336] {strides = array<i32>} : memref<16x128xf32, #tpu.memory_space<vmem>>, vector<1x16xf32>,
    %swap3A_338 = vector.shape_cast %swap3A_337 : vector<1x16xf32> to vector<16xf32>
    %swap3A_339 = vector.shape_cast %broadcast_in_dim3A_99 : vector<16xf32> to vector<1x16xf32>
    tpu.vector_store %arg8[%swap3A_335, %swap3A_336], %swap3A_339 {strides = array<i32>} : memref<16x128xf32, #tpu.memory_space<vmem>>, vector<1x16xf32>,
    %swap3A_340 = arith.constant 5 : i32
    %swap3A_341 = arith.index_cast %swap3A_340 : i32 to index
    %swap3A_342 = arith.constant 0 : index
    %swap3A_343 = tpu.vector_load %arg8[%swap3A_341, %swap3A_342] {strides = array<i32>} : memref<16x128xf32, #tpu.memory_space<vmem>>, vector<1x16xf32>,
    %swap3A_344 = vector.shape_cast %swap3A_343 : vector<1x16xf32> to vector<16xf32>
    %swap3A_345 = vector.shape_cast %broadcast_in_dim3A_99 : vector<16xf32> to vector<1x16xf32>
    tpu.vector_store %arg8[%swap3A_341, %swap3A_342], %swap3A_345 {strides = array<i32>} : memref<16x128xf32, #tpu.memory_space<vmem>>, vector<1x16xf32>,
    %swap3A_346 = arith.constant 5 : i32
    %swap3A_347 = arith.index_cast %swap3A_346 : i32 to index
    %swap3A_348 = arith.constant 16 : index
    %swap3A_349 = tpu.vector_load %arg8[%swap3A_347, %swap3A_348] {strides = array<i32>} : memref<16x128xf32, #tpu.memory_space<vmem>>, vector<1x16xf32>,
    %swap3A_350 = vector.shape_cast %swap3A_349 : vector<1x16xf32> to vector<16xf32>
    %swap3A_351 = vector.shape_cast %broadcast_in_dim3A_99 : vector<16xf32> to vector<1x16xf32>
    tpu.vector_store %arg8[%swap3A_347, %swap3A_348], %swap3A_351 {strides = array<i32>} : memref<16x128xf32, #tpu.memory_space<vmem>>, vector<1x16xf32>,
    %swap3A_352 = arith.constant 5 : i32
    %swap3A_353 = arith.index_cast %swap3A_352 : i32 to index
    %swap3A_354 = arith.constant 32 : index
    %swap3A_355 = tpu.vector_load %arg8[%swap3A_353, %swap3A_354] {strides = array<i32>} : memref<16x128xf32, #tpu.memory_space<vmem>>, vector<1x16xf32>,
    %swap3A_356 = vector.shape_cast %swap3A_355 : vector<1x16xf32> to vector<16xf32>
    %swap3A_357 = vector.shape_cast %broadcast_in_dim3A_99 : vector<16xf32> to vector<1x16xf32>
    tpu.vector_store %arg8[%swap3A_353, %swap3A_354], %swap3A_357 {strides = array<i32>} : memref<16x128xf32, #tpu.memory_space<vmem>>, vector<1x16xf32>,
    %swap3A_358 = arith.constant 5 : i32
    %swap3A_359 = arith.index_cast %swap3A_358 : i32 to index
    %swap3A_360 = arith.constant 48 : index
    %swap3A_361 = tpu.vector_load %arg8[%swap3A_359, %swap3A_360] {strides = array<i32>} : memref<16x128xf32, #tpu.memory_space<vmem>>, vector<1x16xf32>,
    %swap3A_362 = vector.shape_cast %swap3A_361 : vector<1x16xf32> to vector<16xf32>
    %swap3A_363 = vector.shape_cast %broadcast_in_dim3A_99 : vector<16xf32> to vector<1x16xf32>
    tpu.vector_store %arg8[%swap3A_359, %swap3A_360], %swap3A_363 {strides = array<i32>} : memref<16x128xf32, #tpu.memory_space<vmem>>, vector<1x16xf32>,
    %swap3A_364 = arith.constant 5 : i32
    %swap3A_365 = arith.index_cast %swap3A_364 : i32 to index
    %swap3A_366 = arith.constant 64 : index
    %swap3A_367 = tpu.vector_load %arg8[%swap3A_365, %swap3A_366] {strides = array<i32>} : memref<16x128xf32, #tpu.memory_space<vmem>>, vector<1x16xf32>,
    %swap3A_368 = vector.shape_cast %swap3A_367 : vector<1x16xf32> to vector<16xf32>
    %swap3A_369 = vector.shape_cast %broadcast_in_dim3A_99 : vector<16xf32> to vector<1x16xf32>
    tpu.vector_store %arg8[%swap3A_365, %swap3A_366], %swap3A_369 {strides = array<i32>} : memref<16x128xf32, #tpu.memory_space<vmem>>, vector<1x16xf32>,
    %swap3A_370 = arith.constant 5 : i32
    %swap3A_371 = arith.index_cast %swap3A_370 : i32 to index
    %swap3A_372 = arith.constant 80 : index
    %swap3A_373 = tpu.vector_load %arg8[%swap3A_371, %swap3A_372] {strides = array<i32>} : memref<16x128xf32, #tpu.memory_space<vmem>>, vector<1x16xf32>,
    %swap3A_374 = vector.shape_cast %swap3A_373 : vector<1x16xf32> to vector<16xf32>
    %swap3A_375 = vector.shape_cast %broadcast_in_dim3A_99 : vector<16xf32> to vector<1x16xf32>
    tpu.vector_store %arg8[%swap3A_371, %swap3A_372], %swap3A_375 {strides = array<i32>} : memref<16x128xf32, #tpu.memory_space<vmem>>, vector<1x16xf32>,
    %swap3A_376 = arith.constant 5 : i32
    %swap3A_377 = arith.index_cast %swap3A_376 : i32 to index
    %swap3A_378 = arith.constant 96 : index
    %swap3A_379 = tpu.vector_load %arg8[%swap3A_377, %swap3A_378] {strides = array<i32>} : memref<16x128xf32, #tpu.memory_space<vmem>>, vector<1x16xf32>,
    %swap3A_380 = vector.shape_cast %swap3A_379 : vector<1x16xf32> to vector<16xf32>
    %swap3A_381 = vector.shape_cast %broadcast_in_dim3A_99 : vector<16xf32> to vector<1x16xf32>
    tpu.vector_store %arg8[%swap3A_377, %swap3A_378], %swap3A_381 {strides = array<i32>} : memref<16x128xf32, #tpu.memory_space<vmem>>, vector<1x16xf32>,
    %swap3A_382 = arith.constant 5 : i32
    %swap3A_383 = arith.index_cast %swap3A_382 : i32 to index
    %swap3A_384 = arith.constant 112 : index
    %swap3A_385 = tpu.vector_load %arg8[%swap3A_383, %swap3A_384] {strides = array<i32>} : memref<16x128xf32, #tpu.memory_space<vmem>>, vector<1x16xf32>,
    %swap3A_386 = vector.shape_cast %swap3A_385 : vector<1x16xf32> to vector<16xf32>
    %swap3A_387 = vector.shape_cast %broadcast_in_dim3A_99 : vector<16xf32> to vector<1x16xf32>
    tpu.vector_store %arg8[%swap3A_383, %swap3A_384], %swap3A_387 {strides = array<i32>} : memref<16x128xf32, #tpu.memory_space<vmem>>, vector<1x16xf32>,
    %swap3A_388 = arith.constant 6 : i32
    %swap3A_389 = arith.index_cast %swap3A_388 : i32 to index
    %swap3A_390 = arith.constant 0 : index
    %swap3A_391 = tpu.vector_load %arg8[%swap3A_389, %swap3A_390] {strides = array<i32>} : memref<16x128xf32, #tpu.memory_space<vmem>>, vector<1x16xf32>,
    %swap3A_392 = vector.shape_cast %swap3A_391 : vector<1x16xf32> to vector<16xf32>
    %swap3A_393 = vector.shape_cast %broadcast_in_dim3A_99 : vector<16xf32> to vector<1x16xf32>
    tpu.vector_store %arg8[%swap3A_389, %swap3A_390], %swap3A_393 {strides = array<i32>} : memref<16x128xf32, #tpu.memory_space<vmem>>, vector<1x16xf32>,
    %swap3A_394 = arith.constant 6 : i32
    %swap3A_395 = arith.index_cast %swap3A_394 : i32 to index
    %swap3A_396 = arith.constant 16 : index
    %swap3A_397 = tpu.vector_load %arg8[%swap3A_395, %swap3A_396] {strides = array<i32>} : memref<16x128xf32, #tpu.memory_space<vmem>>, vector<1x16xf32>,
    %swap3A_398 = vector.shape_cast %swap3A_397 : vector<1x16xf32> to vector<16xf32>
    %swap3A_399 = vector.shape_cast %broadcast_in_dim3A_99 : vector<16xf32> to vector<1x16xf32>
    tpu.vector_store %arg8[%swap3A_395, %swap3A_396], %swap3A_399 {strides = array<i32>} : memref<16x128xf32, #tpu.memory_space<vmem>>, vector<1x16xf32>,
    %swap3A_400 = arith.constant 6 : i32
    %swap3A_401 = arith.index_cast %swap3A_400 : i32 to index
    %swap3A_402 = arith.constant 32 : index
    %swap3A_403 = tpu.vector_load %arg8[%swap3A_401, %swap3A_402] {strides = array<i32>} : memref<16x128xf32, #tpu.memory_space<vmem>>, vector<1x16xf32>,
    %swap3A_404 = vector.shape_cast %swap3A_403 : vector<1x16xf32> to vector<16xf32>
    %swap3A_405 = vector.shape_cast %broadcast_in_dim3A_99 : vector<16xf32> to vector<1x16xf32>
    tpu.vector_store %arg8[%swap3A_401, %swap3A_402], %swap3A_405 {strides = array<i32>} : memref<16x128xf32, #tpu.memory_space<vmem>>, vector<1x16xf32>,
    %swap3A_406 = arith.constant 6 : i32
    %swap3A_407 = arith.index_cast %swap3A_406 : i32 to index
    %swap3A_408 = arith.constant 48 : index
    %swap3A_409 = tpu.vector_load %arg8[%swap3A_407, %swap3A_408] {strides = array<i32>} : memref<16x128xf32, #tpu.memory_space<vmem>>, vector<1x16xf32>,
    %swap3A_410 = vector.shape_cast %swap3A_409 : vector<1x16xf32> to vector<16xf32>
    %swap3A_411 = vector.shape_cast %broadcast_in_dim3A_99 : vector<16xf32> to vector<1x16xf32>
    tpu.vector_store %arg8[%swap3A_407, %swap3A_408], %swap3A_411 {strides = array<i32>} : memref<16x128xf32, #tpu.memory_space<vmem>>, vector<1x16xf32>,
    %swap3A_412 = arith.constant 6 : i32
    %swap3A_413 = arith.index_cast %swap3A_412 : i32 to index
    %swap3A_414 = arith.constant 64 : index
    %swap3A_415 = tpu.vector_load %arg8[%swap3A_413, %swap3A_414] {strides = array<i32>} : memref<16x128xf32, #tpu.memory_space<vmem>>, vector<1x16xf32>,
    %swap3A_416 = vector.shape_cast %swap3A_415 : vector<1x16xf32> to vector<16xf32>
    %swap3A_417 = vector.shape_cast %broadcast_in_dim3A_99 : vector<16xf32> to vector<1x16xf32>
    tpu.vector_store %arg8[%swap3A_413, %swap3A_414], %swap3A_417 {strides = array<i32>} : memref<16x128xf32, #tpu.memory_space<vmem>>, vector<1x16xf32>,
    %swap3A_418 = arith.constant 6 : i32
    %swap3A_419 = arith.index_cast %swap3A_418 : i32 to index
    %swap3A_420 = arith.constant 80 : index
    %swap3A_421 = tpu.vector_load %arg8[%swap3A_419, %swap3A_420] {strides = array<i32>} : memref<16x128xf32, #tpu.memory_space<vmem>>, vector<1x16xf32>,
    %swap3A_422 = vector.shape_cast %swap3A_421 : vector<1x16xf32> to vector<16xf32>
    %swap3A_423 = vector.shape_cast %broadcast_in_dim3A_99 : vector<16xf32> to vector<1x16xf32>
    tpu.vector_store %arg8[%swap3A_419, %swap3A_420], %swap3A_423 {strides = array<i32>} : memref<16x128xf32, #tpu.memory_space<vmem>>, vector<1x16xf32>,
    %swap3A_424 = arith.constant 6 : i32
    %swap3A_425 = arith.index_cast %swap3A_424 : i32 to index
    %swap3A_426 = arith.constant 96 : index
    %swap3A_427 = tpu.vector_load %arg8[%swap3A_425, %swap3A_426] {strides = array<i32>} : memref<16x128xf32, #tpu.memory_space<vmem>>, vector<1x16xf32>,
    %swap3A_428 = vector.shape_cast %swap3A_427 : vector<1x16xf32> to vector<16xf32>
    %swap3A_429 = vector.shape_cast %broadcast_in_dim3A_99 : vector<16xf32> to vector<1x16xf32>
    tpu.vector_store %arg8[%swap3A_425, %swap3A_426], %swap3A_429 {strides = array<i32>} : memref<16x128xf32, #tpu.memory_space<vmem>>, vector<1x16xf32>,
    %swap3A_430 = arith.constant 6 : i32
    %swap3A_431 = arith.index_cast %swap3A_430 : i32 to index
    %swap3A_432 = arith.constant 112 : index
    %swap3A_433 = tpu.vector_load %arg8[%swap3A_431, %swap3A_432] {strides = array<i32>} : memref<16x128xf32, #tpu.memory_space<vmem>>, vector<1x16xf32>,
    %swap3A_434 = vector.shape_cast %swap3A_433 : vector<1x16xf32> to vector<16xf32>
    %swap3A_435 = vector.shape_cast %broadcast_in_dim3A_99 : vector<16xf32> to vector<1x16xf32>
    tpu.vector_store %arg8[%swap3A_431, %swap3A_432], %swap3A_435 {strides = array<i32>} : memref<16x128xf32, #tpu.memory_space<vmem>>, vector<1x16xf32>,
    %swap3A_436 = arith.constant 7 : i32
    %swap3A_437 = arith.index_cast %swap3A_436 : i32 to index
    %swap3A_438 = arith.constant 0 : index
    %swap3A_439 = tpu.vector_load %arg8[%swap3A_437, %swap3A_438] {strides = array<i32>} : memref<16x128xf32, #tpu.memory_space<vmem>>, vector<1x16xf32>,
    %swap3A_440 = vector.shape_cast %swap3A_439 : vector<1x16xf32> to vector<16xf32>
    %swap3A_441 = vector.shape_cast %broadcast_in_dim3A_99 : vector<16xf32> to vector<1x16xf32>
    tpu.vector_store %arg8[%swap3A_437, %swap3A_438], %swap3A_441 {strides = array<i32>} : memref<16x128xf32, #tpu.memory_space<vmem>>, vector<1x16xf32>,
    %swap3A_442 = arith.constant 7 : i32
    %swap3A_443 = arith.index_cast %swap3A_442 : i32 to index
    %swap3A_444 = arith.constant 16 : index
    %swap3A_445 = tpu.vector_load %arg8[%swap3A_443, %swap3A_444] {strides = array<i32>} : memref<16x128xf32, #tpu.memory_space<vmem>>, vector<1x16xf32>,
    %swap3A_446 = vector.shape_cast %swap3A_445 : vector<1x16xf32> to vector<16xf32>
    %swap3A_447 = vector.shape_cast %broadcast_in_dim3A_99 : vector<16xf32> to vector<1x16xf32>
    tpu.vector_store %arg8[%swap3A_443, %swap3A_444], %swap3A_447 {strides = array<i32>} : memref<16x128xf32, #tpu.memory_space<vmem>>, vector<1x16xf32>,
    %swap3A_448 = arith.constant 7 : i32
    %swap3A_449 = arith.index_cast %swap3A_448 : i32 to index
    %swap3A_450 = arith.constant 32 : index
    %swap3A_451 = tpu.vector_load %arg8[%swap3A_449, %swap3A_450] {strides = array<i32>} : memref<16x128xf32, #tpu.memory_space<vmem>>, vector<1x16xf32>,
    %swap3A_452 = vector.shape_cast %swap3A_451 : vector<1x16xf32> to vector<16xf32>
    %swap3A_453 = vector.shape_cast %broadcast_in_dim3A_99 : vector<16xf32> to vector<1x16xf32>
    tpu.vector_store %arg8[%swap3A_449, %swap3A_450], %swap3A_453 {strides = array<i32>} : memref<16x128xf32, #tpu.memory_space<vmem>>, vector<1x16xf32>,
    %swap3A_454 = arith.constant 7 : i32
    %swap3A_455 = arith.index_cast %swap3A_454 : i32 to index
    %swap3A_456 = arith.constant 48 : index
    %swap3A_457 = tpu.vector_load %arg8[%swap3A_455, %swap3A_456] {strides = array<i32>} : memref<16x128xf32, #tpu.memory_space<vmem>>, vector<1x16xf32>,
    %swap3A_458 = vector.shape_cast %swap3A_457 : vector<1x16xf32> to vector<16xf32>
    %swap3A_459 = vector.shape_cast %broadcast_in_dim3A_99 : vector<16xf32> to vector<1x16xf32>
    tpu.vector_store %arg8[%swap3A_455, %swap3A_456], %swap3A_459 {strides = array<i32>} : memref<16x128xf32, #tpu.memory_space<vmem>>, vector<1x16xf32>,
    %swap3A_460 = arith.constant 7 : i32
    %swap3A_461 = arith.index_cast %swap3A_460 : i32 to index
    %swap3A_462 = arith.constant 64 : index
    %swap3A_463 = tpu.vector_load %arg8[%swap3A_461, %swap3A_462] {strides = array<i32>} : memref<16x128xf32, #tpu.memory_space<vmem>>, vector<1x16xf32>,
    %swap3A_464 = vector.shape_cast %swap3A_463 : vector<1x16xf32> to vector<16xf32>
    %swap3A_465 = vector.shape_cast %broadcast_in_dim3A_99 : vector<16xf32> to vector<1x16xf32>
    tpu.vector_store %arg8[%swap3A_461, %swap3A_462], %swap3A_465 {strides = array<i32>} : memref<16x128xf32, #tpu.memory_space<vmem>>, vector<1x16xf32>,
    %swap3A_466 = arith.constant 7 : i32
    %swap3A_467 = arith.index_cast %swap3A_466 : i32 to index
    %swap3A_468 = arith.constant 80 : index
    %swap3A_469 = tpu.vector_load %arg8[%swap3A_467, %swap3A_468] {strides = array<i32>} : memref<16x128xf32, #tpu.memory_space<vmem>>, vector<1x16xf32>,
    %swap3A_470 = vector.shape_cast %swap3A_469 : vector<1x16xf32> to vector<16xf32>
    %swap3A_471 = vector.shape_cast %broadcast_in_dim3A_99 : vector<16xf32> to vector<1x16xf32>
    tpu.vector_store %arg8[%swap3A_467, %swap3A_468], %swap3A_471 {strides = array<i32>} : memref<16x128xf32, #tpu.memory_space<vmem>>, vector<1x16xf32>,
    %swap3A_472 = arith.constant 7 : i32
    %swap3A_473 = arith.index_cast %swap3A_472 : i32 to index
    %swap3A_474 = arith.constant 96 : index
    %swap3A_475 = tpu.vector_load %arg8[%swap3A_473, %swap3A_474] {strides = array<i32>} : memref<16x128xf32, #tpu.memory_space<vmem>>, vector<1x16xf32>,
    %swap3A_476 = vector.shape_cast %swap3A_475 : vector<1x16xf32> to vector<16xf32>
    %swap3A_477 = vector.shape_cast %broadcast_in_dim3A_99 : vector<16xf32> to vector<1x16xf32>
    tpu.vector_store %arg8[%swap3A_473, %swap3A_474], %swap3A_477 {strides = array<i32>} : memref<16x128xf32, #tpu.memory_space<vmem>>, vector<1x16xf32>,
    %swap3A_478 = arith.constant 7 : i32
    %swap3A_479 = arith.index_cast %swap3A_478 : i32 to index
    %swap3A_480 = arith.constant 112 : index
    %swap3A_481 = tpu.vector_load %arg8[%swap3A_479, %swap3A_480] {strides = array<i32>} : memref<16x128xf32, #tpu.memory_space<vmem>>, vector<1x16xf32>,
    %swap3A_482 = vector.shape_cast %swap3A_481 : vector<1x16xf32> to vector<16xf32>
    %swap3A_483 = vector.shape_cast %broadcast_in_dim3A_99 : vector<16xf32> to vector<1x16xf32>
    tpu.vector_store %arg8[%swap3A_479, %swap3A_480], %swap3A_483 {strides = array<i32>} : memref<16x128xf32, #tpu.memory_space<vmem>>, vector<1x16xf32>,
    %swap3A_484 = arith.constant 8 : i32
    %swap3A_485 = arith.index_cast %swap3A_484 : i32 to index
    %swap3A_486 = arith.constant 0 : index
    %swap3A_487 = tpu.vector_load %arg8[%swap3A_485, %swap3A_486] {strides = array<i32>} : memref<16x128xf32, #tpu.memory_space<vmem>>, vector<1x16xf32>,
    %swap3A_488 = vector.shape_cast %swap3A_487 : vector<1x16xf32> to vector<16xf32>
    %swap3A_489 = vector.shape_cast %broadcast_in_dim3A_99 : vector<16xf32> to vector<1x16xf32>
    tpu.vector_store %arg8[%swap3A_485, %swap3A_486], %swap3A_489 {strides = array<i32>} : memref<16x128xf32, #tpu.memory_space<vmem>>, vector<1x16xf32>,
    %swap3A_490 = arith.constant 8 : i32
    %swap3A_491 = arith.index_cast %swap3A_490 : i32 to index
    %swap3A_492 = arith.constant 16 : index
    %swap3A_493 = tpu.vector_load %arg8[%swap3A_491, %swap3A_492] {strides = array<i32>} : memref<16x128xf32, #tpu.memory_space<vmem>>, vector<1x16xf32>,
    %swap3A_494 = vector.shape_cast %swap3A_493 : vector<1x16xf32> to vector<16xf32>
    %swap3A_495 = vector.shape_cast %broadcast_in_dim3A_99 : vector<16xf32> to vector<1x16xf32>
    tpu.vector_store %arg8[%swap3A_491, %swap3A_492], %swap3A_495 {strides = array<i32>} : memref<16x128xf32, #tpu.memory_space<vmem>>, vector<1x16xf32>,
    %swap3A_496 = arith.constant 8 : i32
    %swap3A_497 = arith.index_cast %swap3A_496 : i32 to index
    %swap3A_498 = arith.constant 32 : index
    %swap3A_499 = tpu.vector_load %arg8[%swap3A_497, %swap3A_498] {strides = array<i32>} : memref<16x128xf32, #tpu.memory_space<vmem>>, vector<1x16xf32>,
    %swap3A_500 = vector.shape_cast %swap3A_499 : vector<1x16xf32> to vector<16xf32>
    %swap3A_501 = vector.shape_cast %broadcast_in_dim3A_99 : vector<16xf32> to vector<1x16xf32>
    tpu.vector_store %arg8[%swap3A_497, %swap3A_498], %swap3A_501 {strides = array<i32>} : memref<16x128xf32, #tpu.memory_space<vmem>>, vector<1x16xf32>,
    %swap3A_502 = arith.constant 8 : i32
    %swap3A_503 = arith.index_cast %swap3A_502 : i32 to index
    %swap3A_504 = arith.constant 48 : index
    %swap3A_505 = tpu.vector_load %arg8[%swap3A_503, %swap3A_504] {strides = array<i32>} : memref<16x128xf32, #tpu.memory_space<vmem>>, vector<1x16xf32>,
    %swap3A_506 = vector.shape_cast %swap3A_505 : vector<1x16xf32> to vector<16xf32>
    %swap3A_507 = vector.shape_cast %broadcast_in_dim3A_99 : vector<16xf32> to vector<1x16xf32>
    tpu.vector_store %arg8[%swap3A_503, %swap3A_504], %swap3A_507 {strides = array<i32>} : memref<16x128xf32, #tpu.memory_space<vmem>>, vector<1x16xf32>,
    %swap3A_508 = arith.constant 8 : i32
    %swap3A_509 = arith.index_cast %swap3A_508 : i32 to index
    %swap3A_510 = arith.constant 64 : index
    %swap3A_511 = tpu.vector_load %arg8[%swap3A_509, %swap3A_510] {strides = array<i32>} : memref<16x128xf32, #tpu.memory_space<vmem>>, vector<1x16xf32>,
    %swap3A_512 = vector.shape_cast %swap3A_511 : vector<1x16xf32> to vector<16xf32>
    %swap3A_513 = vector.shape_cast %broadcast_in_dim3A_99 : vector<16xf32> to vector<1x16xf32>
    tpu.vector_store %arg8[%swap3A_509, %swap3A_510], %swap3A_513 {strides = array<i32>} : memref<16x128xf32, #tpu.memory_space<vmem>>, vector<1x16xf32>,
    %swap3A_514 = arith.constant 8 : i32
    %swap3A_515 = arith.index_cast %swap3A_514 : i32 to index
    %swap3A_516 = arith.constant 80 : index
    %swap3A_517 = tpu.vector_load %arg8[%swap3A_515, %swap3A_516] {strides = array<i32>} : memref<16x128xf32, #tpu.memory_space<vmem>>, vector<1x16xf32>,
    %swap3A_518 = vector.shape_cast %swap3A_517 : vector<1x16xf32> to vector<16xf32>
    %swap3A_519 = vector.shape_cast %broadcast_in_dim3A_99 : vector<16xf32> to vector<1x16xf32>
    tpu.vector_store %arg8[%swap3A_515, %swap3A_516], %swap3A_519 {strides = array<i32>} : memref<16x128xf32, #tpu.memory_space<vmem>>, vector<1x16xf32>,
    %swap3A_520 = arith.constant 8 : i32
    %swap3A_521 = arith.index_cast %swap3A_520 : i32 to index
    %swap3A_522 = arith.constant 96 : index
    %swap3A_523 = tpu.vector_load %arg8[%swap3A_521, %swap3A_522] {strides = array<i32>} : memref<16x128xf32, #tpu.memory_space<vmem>>, vector<1x16xf32>,
    %swap3A_524 = vector.shape_cast %swap3A_523 : vector<1x16xf32> to vector<16xf32>
    %swap3A_525 = vector.shape_cast %broadcast_in_dim3A_99 : vector<16xf32> to vector<1x16xf32>
    tpu.vector_store %arg8[%swap3A_521, %swap3A_522], %swap3A_525 {strides = array<i32>} : memref<16x128xf32, #tpu.memory_space<vmem>>, vector<1x16xf32>,
    %swap3A_526 = arith.constant 8 : i32
    %swap3A_527 = arith.index_cast %swap3A_526 : i32 to index
    %swap3A_528 = arith.constant 112 : index
    %swap3A_529 = tpu.vector_load %arg8[%swap3A_527, %swap3A_528] {strides = array<i32>} : memref<16x128xf32, #tpu.memory_space<vmem>>, vector<1x16xf32>,
    %swap3A_530 = vector.shape_cast %swap3A_529 : vector<1x16xf32> to vector<16xf32>
    %swap3A_531 = vector.shape_cast %broadcast_in_dim3A_99 : vector<16xf32> to vector<1x16xf32>
    tpu.vector_store %arg8[%swap3A_527, %swap3A_528], %swap3A_531 {strides = array<i32>} : memref<16x128xf32, #tpu.memory_space<vmem>>, vector<1x16xf32>,
    %swap3A_532 = arith.constant 9 : i32
    %swap3A_533 = arith.index_cast %swap3A_532 : i32 to index
    %swap3A_534 = arith.constant 0 : index
    %swap3A_535 = tpu.vector_load %arg8[%swap3A_533, %swap3A_534] {strides = array<i32>} : memref<16x128xf32, #tpu.memory_space<vmem>>, vector<1x16xf32>,
    %swap3A_536 = vector.shape_cast %swap3A_535 : vector<1x16xf32> to vector<16xf32>
    %swap3A_537 = vector.shape_cast %broadcast_in_dim3A_99 : vector<16xf32> to vector<1x16xf32>
    tpu.vector_store %arg8[%swap3A_533, %swap3A_534], %swap3A_537 {strides = array<i32>} : memref<16x128xf32, #tpu.memory_space<vmem>>, vector<1x16xf32>,
    %swap3A_538 = arith.constant 9 : i32
    %swap3A_539 = arith.index_cast %swap3A_538 : i32 to index
    %swap3A_540 = arith.constant 16 : index
    %swap3A_541 = tpu.vector_load %arg8[%swap3A_539, %swap3A_540] {strides = array<i32>} : memref<16x128xf32, #tpu.memory_space<vmem>>, vector<1x16xf32>,
    %swap3A_542 = vector.shape_cast %swap3A_541 : vector<1x16xf32> to vector<16xf32>
    %swap3A_543 = vector.shape_cast %broadcast_in_dim3A_99 : vector<16xf32> to vector<1x16xf32>
    tpu.vector_store %arg8[%swap3A_539, %swap3A_540], %swap3A_543 {strides = array<i32>} : memref<16x128xf32, #tpu.memory_space<vmem>>, vector<1x16xf32>,
    %swap3A_544 = arith.constant 9 : i32
    %swap3A_545 = arith.index_cast %swap3A_544 : i32 to index
    %swap3A_546 = arith.constant 32 : index
    %swap3A_547 = tpu.vector_load %arg8[%swap3A_545, %swap3A_546] {strides = array<i32>} : memref<16x128xf32, #tpu.memory_space<vmem>>, vector<1x16xf32>,
    %swap3A_548 = vector.shape_cast %swap3A_547 : vector<1x16xf32> to vector<16xf32>
    %swap3A_549 = vector.shape_cast %broadcast_in_dim3A_99 : vector<16xf32> to vector<1x16xf32>
    tpu.vector_store %arg8[%swap3A_545, %swap3A_546], %swap3A_549 {strides = array<i32>} : memref<16x128xf32, #tpu.memory_space<vmem>>, vector<1x16xf32>,
    %swap3A_550 = arith.constant 9 : i32
    %swap3A_551 = arith.index_cast %swap3A_550 : i32 to index
    %swap3A_552 = arith.constant 48 : index
    %swap3A_553 = tpu.vector_load %arg8[%swap3A_551, %swap3A_552] {strides = array<i32>} : memref<16x128xf32, #tpu.memory_space<vmem>>, vector<1x16xf32>,
    %swap3A_554 = vector.shape_cast %swap3A_553 : vector<1x16xf32> to vector<16xf32>
    %swap3A_555 = vector.shape_cast %broadcast_in_dim3A_99 : vector<16xf32> to vector<1x16xf32>
    tpu.vector_store %arg8[%swap3A_551, %swap3A_552], %swap3A_555 {strides = array<i32>} : memref<16x128xf32, #tpu.memory_space<vmem>>, vector<1x16xf32>,
    %swap3A_556 = arith.constant 9 : i32
    %swap3A_557 = arith.index_cast %swap3A_556 : i32 to index
    %swap3A_558 = arith.constant 64 : index
    %swap3A_559 = tpu.vector_load %arg8[%swap3A_557, %swap3A_558] {strides = array<i32>} : memref<16x128xf32, #tpu.memory_space<vmem>>, vector<1x16xf32>,
    %swap3A_560 = vector.shape_cast %swap3A_559 : vector<1x16xf32> to vector<16xf32>
    %swap3A_561 = vector.shape_cast %broadcast_in_dim3A_99 : vector<16xf32> to vector<1x16xf32>
    tpu.vector_store %arg8[%swap3A_557, %swap3A_558], %swap3A_561 {strides = array<i32>} : memref<16x128xf32, #tpu.memory_space<vmem>>, vector<1x16xf32>,
    %swap3A_562 = arith.constant 9 : i32
    %swap3A_563 = arith.index_cast %swap3A_562 : i32 to index
    %swap3A_564 = arith.constant 80 : index
    %swap3A_565 = tpu.vector_load %arg8[%swap3A_563, %swap3A_564] {strides = array<i32>} : memref<16x128xf32, #tpu.memory_space<vmem>>, vector<1x16xf32>,
    %swap3A_566 = vector.shape_cast %swap3A_565 : vector<1x16xf32> to vector<16xf32>
    %swap3A_567 = vector.shape_cast %broadcast_in_dim3A_99 : vector<16xf32> to vector<1x16xf32>
    tpu.vector_store %arg8[%swap3A_563, %swap3A_564], %swap3A_567 {strides = array<i32>} : memref<16x128xf32, #tpu.memory_space<vmem>>, vector<1x16xf32>,
    %swap3A_568 = arith.constant 9 : i32
    %swap3A_569 = arith.index_cast %swap3A_568 : i32 to index
    %swap3A_570 = arith.constant 96 : index
    %swap3A_571 = tpu.vector_load %arg8[%swap3A_569, %swap3A_570] {strides = array<i32>} : memref<16x128xf32, #tpu.memory_space<vmem>>, vector<1x16xf32>,
    %swap3A_572 = vector.shape_cast %swap3A_571 : vector<1x16xf32> to vector<16xf32>
    %swap3A_573 = vector.shape_cast %broadcast_in_dim3A_99 : vector<16xf32> to vector<1x16xf32>
    tpu.vector_store %arg8[%swap3A_569, %swap3A_570], %swap3A_573 {strides = array<i32>} : memref<16x128xf32, #tpu.memory_space<vmem>>, vector<1x16xf32>,
    %swap3A_574 = arith.constant 9 : i32
    %swap3A_575 = arith.index_cast %swap3A_574 : i32 to index
    %swap3A_576 = arith.constant 112 : index
    %swap3A_577 = tpu.vector_load %arg8[%swap3A_575, %swap3A_576] {strides = array<i32>} : memref<16x128xf32, #tpu.memory_space<vmem>>, vector<1x16xf32>,
    %swap3A_578 = vector.shape_cast %swap3A_577 : vector<1x16xf32> to vector<16xf32>
    %swap3A_579 = vector.shape_cast %broadcast_in_dim3A_99 : vector<16xf32> to vector<1x16xf32>
    tpu.vector_store %arg8[%swap3A_575, %swap3A_576], %swap3A_579 {strides = array<i32>} : memref<16x128xf32, #tpu.memory_space<vmem>>, vector<1x16xf32>,
    %swap3A_580 = arith.constant 10 : i32
    %swap3A_581 = arith.index_cast %swap3A_580 : i32 to index
    %swap3A_582 = arith.constant 0 : index
    %swap3A_583 = tpu.vector_load %arg8[%swap3A_581, %swap3A_582] {strides = array<i32>} : memref<16x128xf32, #tpu.memory_space<vmem>>, vector<1x16xf32>,
    %swap3A_584 = vector.shape_cast %swap3A_583 : vector<1x16xf32> to vector<16xf32>
    %swap3A_585 = vector.shape_cast %broadcast_in_dim3A_99 : vector<16xf32> to vector<1x16xf32>
    tpu.vector_store %arg8[%swap3A_581, %swap3A_582], %swap3A_585 {strides = array<i32>} : memref<16x128xf32, #tpu.memory_space<vmem>>, vector<1x16xf32>,
    %swap3A_586 = arith.constant 10 : i32
    %swap3A_587 = arith.index_cast %swap3A_586 : i32 to index
    %swap3A_588 = arith.constant 16 : index
    %swap3A_589 = tpu.vector_load %arg8[%swap3A_587, %swap3A_588] {strides = array<i32>} : memref<16x128xf32, #tpu.memory_space<vmem>>, vector<1x16xf32>,
    %swap3A_590 = vector.shape_cast %swap3A_589 : vector<1x16xf32> to vector<16xf32>
    %swap3A_591 = vector.shape_cast %broadcast_in_dim3A_99 : vector<16xf32> to vector<1x16xf32>
    tpu.vector_store %arg8[%swap3A_587, %swap3A_588], %swap3A_591 {strides = array<i32>} : memref<16x128xf32, #tpu.memory_space<vmem>>, vector<1x16xf32>,
    %swap3A_592 = arith.constant 10 : i32
    %swap3A_593 = arith.index_cast %swap3A_592 : i32 to index
    %swap3A_594 = arith.constant 32 : index
    %swap3A_595 = tpu.vector_load %arg8[%swap3A_593, %swap3A_594] {strides = array<i32>} : memref<16x128xf32, #tpu.memory_space<vmem>>, vector<1x16xf32>,
    %swap3A_596 = vector.shape_cast %swap3A_595 : vector<1x16xf32> to vector<16xf32>
    %swap3A_597 = vector.shape_cast %broadcast_in_dim3A_99 : vector<16xf32> to vector<1x16xf32>
    tpu.vector_store %arg8[%swap3A_593, %swap3A_594], %swap3A_597 {strides = array<i32>} : memref<16x128xf32, #tpu.memory_space<vmem>>, vector<1x16xf32>,
    %swap3A_598 = arith.constant 10 : i32
    %swap3A_599 = arith.index_cast %swap3A_598 : i32 to index
    %swap3A_600 = arith.constant 48 : index
    %swap3A_601 = tpu.vector_load %arg8[%swap3A_599, %swap3A_600] {strides = array<i32>} : memref<16x128xf32, #tpu.memory_space<vmem>>, vector<1x16xf32>,
    %swap3A_602 = vector.shape_cast %swap3A_601 : vector<1x16xf32> to vector<16xf32>
    %swap3A_603 = vector.shape_cast %broadcast_in_dim3A_99 : vector<16xf32> to vector<1x16xf32>
    tpu.vector_store %arg8[%swap3A_599, %swap3A_600], %swap3A_603 {strides = array<i32>} : memref<16x128xf32, #tpu.memory_space<vmem>>, vector<1x16xf32>,
    %swap3A_604 = arith.constant 10 : i32
    %swap3A_605 = arith.index_cast %swap3A_604 : i32 to index
    %swap3A_606 = arith.constant 64 : index
    %swap3A_607 = tpu.vector_load %arg8[%swap3A_605, %swap3A_606] {strides = array<i32>} : memref<16x128xf32, #tpu.memory_space<vmem>>, vector<1x16xf32>,
    %swap3A_608 = vector.shape_cast %swap3A_607 : vector<1x16xf32> to vector<16xf32>
    %swap3A_609 = vector.shape_cast %broadcast_in_dim3A_99 : vector<16xf32> to vector<1x16xf32>
    tpu.vector_store %arg8[%swap3A_605, %swap3A_606], %swap3A_609 {strides = array<i32>} : memref<16x128xf32, #tpu.memory_space<vmem>>, vector<1x16xf32>,
    %swap3A_610 = arith.constant 10 : i32
    %swap3A_611 = arith.index_cast %swap3A_610 : i32 to index
    %swap3A_612 = arith.constant 80 : index
    %swap3A_613 = tpu.vector_load %arg8[%swap3A_611, %swap3A_612] {strides = array<i32>} : memref<16x128xf32, #tpu.memory_space<vmem>>, vector<1x16xf32>,
    %swap3A_614 = vector.shape_cast %swap3A_613 : vector<1x16xf32> to vector<16xf32>
    %swap3A_615 = vector.shape_cast %broadcast_in_dim3A_99 : vector<16xf32> to vector<1x16xf32>
    tpu.vector_store %arg8[%swap3A_611, %swap3A_612], %swap3A_615 {strides = array<i32>} : memref<16x128xf32, #tpu.memory_space<vmem>>, vector<1x16xf32>,
    %swap3A_616 = arith.constant 10 : i32
    %swap3A_617 = arith.index_cast %swap3A_616 : i32 to index
    %swap3A_618 = arith.constant 96 : index
    %swap3A_619 = tpu.vector_load %arg8[%swap3A_617, %swap3A_618] {strides = array<i32>} : memref<16x128xf32, #tpu.memory_space<vmem>>, vector<1x16xf32>,
    %swap3A_620 = vector.shape_cast %swap3A_619 : vector<1x16xf32> to vector<16xf32>
    %swap3A_621 = vector.shape_cast %broadcast_in_dim3A_99 : vector<16xf32> to vector<1x16xf32>
    tpu.vector_store %arg8[%swap3A_617, %swap3A_618], %swap3A_621 {strides = array<i32>} : memref<16x128xf32, #tpu.memory_space<vmem>>, vector<1x16xf32>,
    %swap3A_622 = arith.constant 10 : i32
    %swap3A_623 = arith.index_cast %swap3A_622 : i32 to index
    %swap3A_624 = arith.constant 112 : index
    %swap3A_625 = tpu.vector_load %arg8[%swap3A_623, %swap3A_624] {strides = array<i32>} : memref<16x128xf32, #tpu.memory_space<vmem>>, vector<1x16xf32>,
    %swap3A_626 = vector.shape_cast %swap3A_625 : vector<1x16xf32> to vector<16xf32>
    %swap3A_627 = vector.shape_cast %broadcast_in_dim3A_99 : vector<16xf32> to vector<1x16xf32>
    tpu.vector_store %arg8[%swap3A_623, %swap3A_624], %swap3A_627 {strides = array<i32>} : memref<16x128xf32, #tpu.memory_space<vmem>>, vector<1x16xf32>,
    %swap3A_628 = arith.constant 11 : i32
    %swap3A_629 = arith.index_cast %swap3A_628 : i32 to index
    %swap3A_630 = arith.constant 0 : index
    %swap3A_631 = tpu.vector_load %arg8[%swap3A_629, %swap3A_630] {strides = array<i32>} : memref<16x128xf32, #tpu.memory_space<vmem>>, vector<1x16xf32>,
    %swap3A_632 = vector.shape_cast %swap3A_631 : vector<1x16xf32> to vector<16xf32>
    %swap3A_633 = vector.shape_cast %broadcast_in_dim3A_99 : vector<16xf32> to vector<1x16xf32>
    tpu.vector_store %arg8[%swap3A_629, %swap3A_630], %swap3A_633 {strides = array<i32>} : memref<16x128xf32, #tpu.memory_space<vmem>>, vector<1x16xf32>,
    %swap3A_634 = arith.constant 11 : i32
    %swap3A_635 = arith.index_cast %swap3A_634 : i32 to index
    %swap3A_636 = arith.constant 16 : index
    %swap3A_637 = tpu.vector_load %arg8[%swap3A_635, %swap3A_636] {strides = array<i32>} : memref<16x128xf32, #tpu.memory_space<vmem>>, vector<1x16xf32>,
    %swap3A_638 = vector.shape_cast %swap3A_637 : vector<1x16xf32> to vector<16xf32>
    %swap3A_639 = vector.shape_cast %broadcast_in_dim3A_99 : vector<16xf32> to vector<1x16xf32>
    tpu.vector_store %arg8[%swap3A_635, %swap3A_636], %swap3A_639 {strides = array<i32>} : memref<16x128xf32, #tpu.memory_space<vmem>>, vector<1x16xf32>,
    %swap3A_640 = arith.constant 11 : i32
    %swap3A_641 = arith.index_cast %swap3A_640 : i32 to index
    %swap3A_642 = arith.constant 32 : index
    %swap3A_643 = tpu.vector_load %arg8[%swap3A_641, %swap3A_642] {strides = array<i32>} : memref<16x128xf32, #tpu.memory_space<vmem>>, vector<1x16xf32>,
    %swap3A_644 = vector.shape_cast %swap3A_643 : vector<1x16xf32> to vector<16xf32>
    %swap3A_645 = vector.shape_cast %broadcast_in_dim3A_99 : vector<16xf32> to vector<1x16xf32>
    tpu.vector_store %arg8[%swap3A_641, %swap3A_642], %swap3A_645 {strides = array<i32>} : memref<16x128xf32, #tpu.memory_space<vmem>>, vector<1x16xf32>,
    %swap3A_646 = arith.constant 11 : i32
    %swap3A_647 = arith.index_cast %swap3A_646 : i32 to index
    %swap3A_648 = arith.constant 48 : index
    %swap3A_649 = tpu.vector_load %arg8[%swap3A_647, %swap3A_648] {strides = array<i32>} : memref<16x128xf32, #tpu.memory_space<vmem>>, vector<1x16xf32>,
    %swap3A_650 = vector.shape_cast %swap3A_649 : vector<1x16xf32> to vector<16xf32>
    %swap3A_651 = vector.shape_cast %broadcast_in_dim3A_99 : vector<16xf32> to vector<1x16xf32>
    tpu.vector_store %arg8[%swap3A_647, %swap3A_648], %swap3A_651 {strides = array<i32>} : memref<16x128xf32, #tpu.memory_space<vmem>>, vector<1x16xf32>,
    %swap3A_652 = arith.constant 11 : i32
    %swap3A_653 = arith.index_cast %swap3A_652 : i32 to index
    %swap3A_654 = arith.constant 64 : index
    %swap3A_655 = tpu.vector_load %arg8[%swap3A_653, %swap3A_654] {strides = array<i32>} : memref<16x128xf32, #tpu.memory_space<vmem>>, vector<1x16xf32>,
    %swap3A_656 = vector.shape_cast %swap3A_655 : vector<1x16xf32> to vector<16xf32>
    %swap3A_657 = vector.shape_cast %broadcast_in_dim3A_99 : vector<16xf32> to vector<1x16xf32>
    tpu.vector_store %arg8[%swap3A_653, %swap3A_654], %swap3A_657 {strides = array<i32>} : memref<16x128xf32, #tpu.memory_space<vmem>>, vector<1x16xf32>,
    %swap3A_658 = arith.constant 11 : i32
    %swap3A_659 = arith.index_cast %swap3A_658 : i32 to index
    %swap3A_660 = arith.constant 80 : index
    %swap3A_661 = tpu.vector_load %arg8[%swap3A_659, %swap3A_660] {strides = array<i32>} : memref<16x128xf32, #tpu.memory_space<vmem>>, vector<1x16xf32>,
    %swap3A_662 = vector.shape_cast %swap3A_661 : vector<1x16xf32> to vector<16xf32>
    %swap3A_663 = vector.shape_cast %broadcast_in_dim3A_99 : vector<16xf32> to vector<1x16xf32>
    tpu.vector_store %arg8[%swap3A_659, %swap3A_660], %swap3A_663 {strides = array<i32>} : memref<16x128xf32, #tpu.memory_space<vmem>>, vector<1x16xf32>,
    %swap3A_664 = arith.constant 11 : i32
    %swap3A_665 = arith.index_cast %swap3A_664 : i32 to index
    %swap3A_666 = arith.constant 96 : index
    %swap3A_667 = tpu.vector_load %arg8[%swap3A_665, %swap3A_666] {strides = array<i32>} : memref<16x128xf32, #tpu.memory_space<vmem>>, vector<1x16xf32>,
    %swap3A_668 = vector.shape_cast %swap3A_667 : vector<1x16xf32> to vector<16xf32>
    %swap3A_669 = vector.shape_cast %broadcast_in_dim3A_99 : vector<16xf32> to vector<1x16xf32>
    tpu.vector_store %arg8[%swap3A_665, %swap3A_666], %swap3A_669 {strides = array<i32>} : memref<16x128xf32, #tpu.memory_space<vmem>>, vector<1x16xf32>,
    %swap3A_670 = arith.constant 11 : i32
    %swap3A_671 = arith.index_cast %swap3A_670 : i32 to index
    %swap3A_672 = arith.constant 112 : index
    %swap3A_673 = tpu.vector_load %arg8[%swap3A_671, %swap3A_672] {strides = array<i32>} : memref<16x128xf32, #tpu.memory_space<vmem>>, vector<1x16xf32>,
    %swap3A_674 = vector.shape_cast %swap3A_673 : vector<1x16xf32> to vector<16xf32>
    %swap3A_675 = vector.shape_cast %broadcast_in_dim3A_99 : vector<16xf32> to vector<1x16xf32>
    tpu.vector_store %arg8[%swap3A_671, %swap3A_672], %swap3A_675 {strides = array<i32>} : memref<16x128xf32, #tpu.memory_space<vmem>>, vector<1x16xf32>,
    %swap3A_676 = arith.constant 12 : i32
    %swap3A_677 = arith.index_cast %swap3A_676 : i32 to index
    %swap3A_678 = arith.constant 0 : index
    %swap3A_679 = tpu.vector_load %arg8[%swap3A_677, %swap3A_678] {strides = array<i32>} : memref<16x128xf32, #tpu.memory_space<vmem>>, vector<1x16xf32>,
    %swap3A_680 = vector.shape_cast %swap3A_679 : vector<1x16xf32> to vector<16xf32>
    %swap3A_681 = vector.shape_cast %broadcast_in_dim3A_99 : vector<16xf32> to vector<1x16xf32>
    tpu.vector_store %arg8[%swap3A_677, %swap3A_678], %swap3A_681 {strides = array<i32>} : memref<16x128xf32, #tpu.memory_space<vmem>>, vector<1x16xf32>,
    %swap3A_682 = arith.constant 12 : i32
    %swap3A_683 = arith.index_cast %swap3A_682 : i32 to index
    %swap3A_684 = arith.constant 16 : index
    %swap3A_685 = tpu.vector_load %arg8[%swap3A_683, %swap3A_684] {strides = array<i32>} : memref<16x128xf32, #tpu.memory_space<vmem>>, vector<1x16xf32>,
    %swap3A_686 = vector.shape_cast %swap3A_685 : vector<1x16xf32> to vector<16xf32>
    %swap3A_687 = vector.shape_cast %broadcast_in_dim3A_99 : vector<16xf32> to vector<1x16xf32>
    tpu.vector_store %arg8[%swap3A_683, %swap3A_684], %swap3A_687 {strides = array<i32>} : memref<16x128xf32, #tpu.memory_space<vmem>>, vector<1x16xf32>,
    %swap3A_688 = arith.constant 12 : i32
    %swap3A_689 = arith.index_cast %swap3A_688 : i32 to index
    %swap3A_690 = arith.constant 32 : index
    %swap3A_691 = tpu.vector_load %arg8[%swap3A_689, %swap3A_690] {strides = array<i32>} : memref<16x128xf32, #tpu.memory_space<vmem>>, vector<1x16xf32>,
    %swap3A_692 = vector.shape_cast %swap3A_691 : vector<1x16xf32> to vector<16xf32>
    %swap3A_693 = vector.shape_cast %broadcast_in_dim3A_99 : vector<16xf32> to vector<1x16xf32>
    tpu.vector_store %arg8[%swap3A_689, %swap3A_690], %swap3A_693 {strides = array<i32>} : memref<16x128xf32, #tpu.memory_space<vmem>>, vector<1x16xf32>,
    %swap3A_694 = arith.constant 12 : i32
    %swap3A_695 = arith.index_cast %swap3A_694 : i32 to index
    %swap3A_696 = arith.constant 48 : index
    %swap3A_697 = tpu.vector_load %arg8[%swap3A_695, %swap3A_696] {strides = array<i32>} : memref<16x128xf32, #tpu.memory_space<vmem>>, vector<1x16xf32>,
    %swap3A_698 = vector.shape_cast %swap3A_697 : vector<1x16xf32> to vector<16xf32>
    %swap3A_699 = vector.shape_cast %broadcast_in_dim3A_99 : vector<16xf32> to vector<1x16xf32>
    tpu.vector_store %arg8[%swap3A_695, %swap3A_696], %swap3A_699 {strides = array<i32>} : memref<16x128xf32, #tpu.memory_space<vmem>>, vector<1x16xf32>,
    %swap3A_700 = arith.constant 12 : i32
    %swap3A_701 = arith.index_cast %swap3A_700 : i32 to index
    %swap3A_702 = arith.constant 64 : index
    %swap3A_703 = tpu.vector_load %arg8[%swap3A_701, %swap3A_702] {strides = array<i32>} : memref<16x128xf32, #tpu.memory_space<vmem>>, vector<1x16xf32>,
    %swap3A_704 = vector.shape_cast %swap3A_703 : vector<1x16xf32> to vector<16xf32>
    %swap3A_705 = vector.shape_cast %broadcast_in_dim3A_99 : vector<16xf32> to vector<1x16xf32>
    tpu.vector_store %arg8[%swap3A_701, %swap3A_702], %swap3A_705 {strides = array<i32>} : memref<16x128xf32, #tpu.memory_space<vmem>>, vector<1x16xf32>,
    %swap3A_706 = arith.constant 12 : i32
    %swap3A_707 = arith.index_cast %swap3A_706 : i32 to index
    %swap3A_708 = arith.constant 80 : index
    %swap3A_709 = tpu.vector_load %arg8[%swap3A_707, %swap3A_708] {strides = array<i32>} : memref<16x128xf32, #tpu.memory_space<vmem>>, vector<1x16xf32>,
    %swap3A_710 = vector.shape_cast %swap3A_709 : vector<1x16xf32> to vector<16xf32>
    %swap3A_711 = vector.shape_cast %broadcast_in_dim3A_99 : vector<16xf32> to vector<1x16xf32>
    tpu.vector_store %arg8[%swap3A_707, %swap3A_708], %swap3A_711 {strides = array<i32>} : memref<16x128xf32, #tpu.memory_space<vmem>>, vector<1x16xf32>,
    %swap3A_712 = arith.constant 12 : i32
    %swap3A_713 = arith.index_cast %swap3A_712 : i32 to index
    %swap3A_714 = arith.constant 96 : index
    %swap3A_715 = tpu.vector_load %arg8[%swap3A_713, %swap3A_714] {strides = array<i32>} : memref<16x128xf32, #tpu.memory_space<vmem>>, vector<1x16xf32>,
    %swap3A_716 = vector.shape_cast %swap3A_715 : vector<1x16xf32> to vector<16xf32>
    %swap3A_717 = vector.shape_cast %broadcast_in_dim3A_99 : vector<16xf32> to vector<1x16xf32>
    tpu.vector_store %arg8[%swap3A_713, %swap3A_714], %swap3A_717 {strides = array<i32>} : memref<16x128xf32, #tpu.memory_space<vmem>>, vector<1x16xf32>,
    %swap3A_718 = arith.constant 12 : i32
    %swap3A_719 = arith.index_cast %swap3A_718 : i32 to index
    %swap3A_720 = arith.constant 112 : index
    %swap3A_721 = tpu.vector_load %arg8[%swap3A_719, %swap3A_720] {strides = array<i32>} : memref<16x128xf32, #tpu.memory_space<vmem>>, vector<1x16xf32>,
    %swap3A_722 = vector.shape_cast %swap3A_721 : vector<1x16xf32> to vector<16xf32>
    %swap3A_723 = vector.shape_cast %broadcast_in_dim3A_99 : vector<16xf32> to vector<1x16xf32>
    tpu.vector_store %arg8[%swap3A_719, %swap3A_720], %swap3A_723 {strides = array<i32>} : memref<16x128xf32, #tpu.memory_space<vmem>>, vector<1x16xf32>,
    %swap3A_724 = arith.constant 13 : i32
    %swap3A_725 = arith.index_cast %swap3A_724 : i32 to index
    %swap3A_726 = arith.constant 0 : index
    %swap3A_727 = tpu.vector_load %arg8[%swap3A_725, %swap3A_726] {strides = array<i32>} : memref<16x128xf32, #tpu.memory_space<vmem>>, vector<1x16xf32>,
    %swap3A_728 = vector.shape_cast %swap3A_727 : vector<1x16xf32> to vector<16xf32>
    %swap3A_729 = vector.shape_cast %broadcast_in_dim3A_99 : vector<16xf32> to vector<1x16xf32>
    tpu.vector_store %arg8[%swap3A_725, %swap3A_726], %swap3A_729 {strides = array<i32>} : memref<16x128xf32, #tpu.memory_space<vmem>>, vector<1x16xf32>,
    %swap3A_730 = arith.constant 13 : i32
    %swap3A_731 = arith.index_cast %swap3A_730 : i32 to index
    %swap3A_732 = arith.constant 16 : index
    %swap3A_733 = tpu.vector_load %arg8[%swap3A_731, %swap3A_732] {strides = array<i32>} : memref<16x128xf32, #tpu.memory_space<vmem>>, vector<1x16xf32>,
    %swap3A_734 = vector.shape_cast %swap3A_733 : vector<1x16xf32> to vector<16xf32>
    %swap3A_735 = vector.shape_cast %broadcast_in_dim3A_99 : vector<16xf32> to vector<1x16xf32>
    tpu.vector_store %arg8[%swap3A_731, %swap3A_732], %swap3A_735 {strides = array<i32>} : memref<16x128xf32, #tpu.memory_space<vmem>>, vector<1x16xf32>,
    %swap3A_736 = arith.constant 13 : i32
    %swap3A_737 = arith.index_cast %swap3A_736 : i32 to index
    %swap3A_738 = arith.constant 32 : index
    %swap3A_739 = tpu.vector_load %arg8[%swap3A_737, %swap3A_738] {strides = array<i32>} : memref<16x128xf32, #tpu.memory_space<vmem>>, vector<1x16xf32>,
    %swap3A_740 = vector.shape_cast %swap3A_739 : vector<1x16xf32> to vector<16xf32>
    %swap3A_741 = vector.shape_cast %broadcast_in_dim3A_99 : vector<16xf32> to vector<1x16xf32>
    tpu.vector_store %arg8[%swap3A_737, %swap3A_738], %swap3A_741 {strides = array<i32>} : memref<16x128xf32, #tpu.memory_space<vmem>>, vector<1x16xf32>,
    %swap3A_742 = arith.constant 13 : i32
    %swap3A_743 = arith.index_cast %swap3A_742 : i32 to index
    %swap3A_744 = arith.constant 48 : index
    %swap3A_745 = tpu.vector_load %arg8[%swap3A_743, %swap3A_744] {strides = array<i32>} : memref<16x128xf32, #tpu.memory_space<vmem>>, vector<1x16xf32>,
    %swap3A_746 = vector.shape_cast %swap3A_745 : vector<1x16xf32> to vector<16xf32>
    %swap3A_747 = vector.shape_cast %broadcast_in_dim3A_99 : vector<16xf32> to vector<1x16xf32>
    tpu.vector_store %arg8[%swap3A_743, %swap3A_744], %swap3A_747 {strides = array<i32>} : memref<16x128xf32, #tpu.memory_space<vmem>>, vector<1x16xf32>,
    %swap3A_748 = arith.constant 13 : i32
    %swap3A_749 = arith.index_cast %swap3A_748 : i32 to index
    %swap3A_750 = arith.constant 64 : index
    %swap3A_751 = tpu.vector_load %arg8[%swap3A_749, %swap3A_750] {strides = array<i32>} : memref<16x128xf32, #tpu.memory_space<vmem>>, vector<1x16xf32>,
    %swap3A_752 = vector.shape_cast %swap3A_751 : vector<1x16xf32> to vector<16xf32>
    %swap3A_753 = vector.shape_cast %broadcast_in_dim3A_99 : vector<16xf32> to vector<1x16xf32>
    tpu.vector_store %arg8[%swap3A_749, %swap3A_750], %swap3A_753 {strides = array<i32>} : memref<16x128xf32, #tpu.memory_space<vmem>>, vector<1x16xf32>,
    %swap3A_754 = arith.constant 13 : i32
    %swap3A_755 = arith.index_cast %swap3A_754 : i32 to index
    %swap3A_756 = arith.constant 80 : index
    %swap3A_757 = tpu.vector_load %arg8[%swap3A_755, %swap3A_756] {strides = array<i32>} : memref<16x128xf32, #tpu.memory_space<vmem>>, vector<1x16xf32>,
    %swap3A_758 = vector.shape_cast %swap3A_757 : vector<1x16xf32> to vector<16xf32>
    %swap3A_759 = vector.shape_cast %broadcast_in_dim3A_99 : vector<16xf32> to vector<1x16xf32>
    tpu.vector_store %arg8[%swap3A_755, %swap3A_756], %swap3A_759 {strides = array<i32>} : memref<16x128xf32, #tpu.memory_space<vmem>>, vector<1x16xf32>,
    %swap3A_760 = arith.constant 13 : i32
    %swap3A_761 = arith.index_cast %swap3A_760 : i32 to index
    %swap3A_762 = arith.constant 96 : index
    %swap3A_763 = tpu.vector_load %arg8[%swap3A_761, %swap3A_762] {strides = array<i32>} : memref<16x128xf32, #tpu.memory_space<vmem>>, vector<1x16xf32>,
    %swap3A_764 = vector.shape_cast %swap3A_763 : vector<1x16xf32> to vector<16xf32>
    %swap3A_765 = vector.shape_cast %broadcast_in_dim3A_99 : vector<16xf32> to vector<1x16xf32>
    tpu.vector_store %arg8[%swap3A_761, %swap3A_762], %swap3A_765 {strides = array<i32>} : memref<16x128xf32, #tpu.memory_space<vmem>>, vector<1x16xf32>,
    %swap3A_766 = arith.constant 13 : i32
    %swap3A_767 = arith.index_cast %swap3A_766 : i32 to index
    %swap3A_768 = arith.constant 112 : index
    %swap3A_769 = tpu.vector_load %arg8[%swap3A_767, %swap3A_768] {strides = array<i32>} : memref<16x128xf32, #tpu.memory_space<vmem>>, vector<1x16xf32>,
    %swap3A_770 = vector.shape_cast %swap3A_769 : vector<1x16xf32> to vector<16xf32>
    %swap3A_771 = vector.shape_cast %broadcast_in_dim3A_99 : vector<16xf32> to vector<1x16xf32>
    tpu.vector_store %arg8[%swap3A_767, %swap3A_768], %swap3A_771 {strides = array<i32>} : memref<16x128xf32, #tpu.memory_space<vmem>>, vector<1x16xf32>,
    %swap3A_772 = arith.constant 14 : i32
    %swap3A_773 = arith.index_cast %swap3A_772 : i32 to index
    %swap3A_774 = arith.constant 0 : index
    %swap3A_775 = tpu.vector_load %arg8[%swap3A_773, %swap3A_774] {strides = array<i32>} : memref<16x128xf32, #tpu.memory_space<vmem>>, vector<1x16xf32>,
    %swap3A_776 = vector.shape_cast %swap3A_775 : vector<1x16xf32> to vector<16xf32>
    %swap3A_777 = vector.shape_cast %broadcast_in_dim3A_99 : vector<16xf32> to vector<1x16xf32>
    tpu.vector_store %arg8[%swap3A_773, %swap3A_774], %swap3A_777 {strides = array<i32>} : memref<16x128xf32, #tpu.memory_space<vmem>>, vector<1x16xf32>,
    %swap3A_778 = arith.constant 14 : i32
    %swap3A_779 = arith.index_cast %swap3A_778 : i32 to index
    %swap3A_780 = arith.constant 16 : index
    %swap3A_781 = tpu.vector_load %arg8[%swap3A_779, %swap3A_780] {strides = array<i32>} : memref<16x128xf32, #tpu.memory_space<vmem>>, vector<1x16xf32>,
    %swap3A_782 = vector.shape_cast %swap3A_781 : vector<1x16xf32> to vector<16xf32>
    %swap3A_783 = vector.shape_cast %broadcast_in_dim3A_99 : vector<16xf32> to vector<1x16xf32>
    tpu.vector_store %arg8[%swap3A_779, %swap3A_780], %swap3A_783 {strides = array<i32>} : memref<16x128xf32, #tpu.memory_space<vmem>>, vector<1x16xf32>,
    %swap3A_784 = arith.constant 14 : i32
    %swap3A_785 = arith.index_cast %swap3A_784 : i32 to index
    %swap3A_786 = arith.constant 32 : index
    %swap3A_787 = tpu.vector_load %arg8[%swap3A_785, %swap3A_786] {strides = array<i32>} : memref<16x128xf32, #tpu.memory_space<vmem>>, vector<1x16xf32>,
    %swap3A_788 = vector.shape_cast %swap3A_787 : vector<1x16xf32> to vector<16xf32>
    %swap3A_789 = vector.shape_cast %broadcast_in_dim3A_99 : vector<16xf32> to vector<1x16xf32>
    tpu.vector_store %arg8[%swap3A_785, %swap3A_786], %swap3A_789 {strides = array<i32>} : memref<16x128xf32, #tpu.memory_space<vmem>>, vector<1x16xf32>,
    %swap3A_790 = arith.constant 14 : i32
    %swap3A_791 = arith.index_cast %swap3A_790 : i32 to index
    %swap3A_792 = arith.constant 48 : index
    %swap3A_793 = tpu.vector_load %arg8[%swap3A_791, %swap3A_792] {strides = array<i32>} : memref<16x128xf32, #tpu.memory_space<vmem>>, vector<1x16xf32>,
    %swap3A_794 = vector.shape_cast %swap3A_793 : vector<1x16xf32> to vector<16xf32>
    %swap3A_795 = vector.shape_cast %broadcast_in_dim3A_99 : vector<16xf32> to vector<1x16xf32>
    tpu.vector_store %arg8[%swap3A_791, %swap3A_792], %swap3A_795 {strides = array<i32>} : memref<16x128xf32, #tpu.memory_space<vmem>>, vector<1x16xf32>,
    %swap3A_796 = arith.constant 14 : i32
    %swap3A_797 = arith.index_cast %swap3A_796 : i32 to index
    %swap3A_798 = arith.constant 64 : index
    %swap3A_799 = tpu.vector_load %arg8[%swap3A_797, %swap3A_798] {strides = array<i32>} : memref<16x128xf32, #tpu.memory_space<vmem>>, vector<1x16xf32>,
    %swap3A_800 = vector.shape_cast %swap3A_799 : vector<1x16xf32> to vector<16xf32>
    %swap3A_801 = vector.shape_cast %broadcast_in_dim3A_99 : vector<16xf32> to vector<1x16xf32>
    tpu.vector_store %arg8[%swap3A_797, %swap3A_798], %swap3A_801 {strides = array<i32>} : memref<16x128xf32, #tpu.memory_space<vmem>>, vector<1x16xf32>,
    %swap3A_802 = arith.constant 14 : i32
    %swap3A_803 = arith.index_cast %swap3A_802 : i32 to index
    %swap3A_804 = arith.constant 80 : index
    %swap3A_805 = tpu.vector_load %arg8[%swap3A_803, %swap3A_804] {strides = array<i32>} : memref<16x128xf32, #tpu.memory_space<vmem>>, vector<1x16xf32>,
    %swap3A_806 = vector.shape_cast %swap3A_805 : vector<1x16xf32> to vector<16xf32>
    %swap3A_807 = vector.shape_cast %broadcast_in_dim3A_99 : vector<16xf32> to vector<1x16xf32>
    tpu.vector_store %arg8[%swap3A_803, %swap3A_804], %swap3A_807 {strides = array<i32>} : memref<16x128xf32, #tpu.memory_space<vmem>>, vector<1x16xf32>,
    %swap3A_808 = arith.constant 14 : i32
    %swap3A_809 = arith.index_cast %swap3A_808 : i32 to index
    %swap3A_810 = arith.constant 96 : index
    %swap3A_811 = tpu.vector_load %arg8[%swap3A_809, %swap3A_810] {strides = array<i32>} : memref<16x128xf32, #tpu.memory_space<vmem>>, vector<1x16xf32>,
    %swap3A_812 = vector.shape_cast %swap3A_811 : vector<1x16xf32> to vector<16xf32>
    %swap3A_813 = vector.shape_cast %broadcast_in_dim3A_99 : vector<16xf32> to vector<1x16xf32>
    tpu.vector_store %arg8[%swap3A_809, %swap3A_810], %swap3A_813 {strides = array<i32>} : memref<16x128xf32, #tpu.memory_space<vmem>>, vector<1x16xf32>,
    %swap3A_814 = arith.constant 14 : i32
    %swap3A_815 = arith.index_cast %swap3A_814 : i32 to index
    %swap3A_816 = arith.constant 112 : index
    %swap3A_817 = tpu.vector_load %arg8[%swap3A_815, %swap3A_816] {strides = array<i32>} : memref<16x128xf32, #tpu.memory_space<vmem>>, vector<1x16xf32>,
    %swap3A_818 = vector.shape_cast %swap3A_817 : vector<1x16xf32> to vector<16xf32>
    %swap3A_819 = vector.shape_cast %broadcast_in_dim3A_99 : vector<16xf32> to vector<1x16xf32>
    tpu.vector_store %arg8[%swap3A_815, %swap3A_816], %swap3A_819 {strides = array<i32>} : memref<16x128xf32, #tpu.memory_space<vmem>>, vector<1x16xf32>,
    %swap3A_820 = arith.constant 15 : i32
    %swap3A_821 = arith.index_cast %swap3A_820 : i32 to index
    %swap3A_822 = arith.constant 0 : index
    %swap3A_823 = tpu.vector_load %arg8[%swap3A_821, %swap3A_822] {strides = array<i32>} : memref<16x128xf32, #tpu.memory_space<vmem>>, vector<1x16xf32>,
    %swap3A_824 = vector.shape_cast %swap3A_823 : vector<1x16xf32> to vector<16xf32>
    %swap3A_825 = vector.shape_cast %broadcast_in_dim3A_99 : vector<16xf32> to vector<1x16xf32>
    tpu.vector_store %arg8[%swap3A_821, %swap3A_822], %swap3A_825 {strides = array<i32>} : memref<16x128xf32, #tpu.memory_space<vmem>>, vector<1x16xf32>,
    %swap3A_826 = arith.constant 15 : i32
    %swap3A_827 = arith.index_cast %swap3A_826 : i32 to index
    %swap3A_828 = arith.constant 16 : index
    %swap3A_829 = tpu.vector_load %arg8[%swap3A_827, %swap3A_828] {strides = array<i32>} : memref<16x128xf32, #tpu.memory_space<vmem>>, vector<1x16xf32>,
    %swap3A_830 = vector.shape_cast %swap3A_829 : vector<1x16xf32> to vector<16xf32>
    %swap3A_831 = vector.shape_cast %broadcast_in_dim3A_99 : vector<16xf32> to vector<1x16xf32>
    tpu.vector_store %arg8[%swap3A_827, %swap3A_828], %swap3A_831 {strides = array<i32>} : memref<16x128xf32, #tpu.memory_space<vmem>>, vector<1x16xf32>,
    %swap3A_832 = arith.constant 15 : i32
    %swap3A_833 = arith.index_cast %swap3A_832 : i32 to index
    %swap3A_834 = arith.constant 32 : index
    %swap3A_835 = tpu.vector_load %arg8[%swap3A_833, %swap3A_834] {strides = array<i32>} : memref<16x128xf32, #tpu.memory_space<vmem>>, vector<1x16xf32>,
    %swap3A_836 = vector.shape_cast %swap3A_835 : vector<1x16xf32> to vector<16xf32>
    %swap3A_837 = vector.shape_cast %broadcast_in_dim3A_99 : vector<16xf32> to vector<1x16xf32>
    tpu.vector_store %arg8[%swap3A_833, %swap3A_834], %swap3A_837 {strides = array<i32>} : memref<16x128xf32, #tpu.memory_space<vmem>>, vector<1x16xf32>,
    %swap3A_838 = arith.constant 15 : i32
    %swap3A_839 = arith.index_cast %swap3A_838 : i32 to index
    %swap3A_840 = arith.constant 48 : index
    %swap3A_841 = tpu.vector_load %arg8[%swap3A_839, %swap3A_840] {strides = array<i32>} : memref<16x128xf32, #tpu.memory_space<vmem>>, vector<1x16xf32>,
    %swap3A_842 = vector.shape_cast %swap3A_841 : vector<1x16xf32> to vector<16xf32>
    %swap3A_843 = vector.shape_cast %broadcast_in_dim3A_99 : vector<16xf32> to vector<1x16xf32>
    tpu.vector_store %arg8[%swap3A_839, %swap3A_840], %swap3A_843 {strides = array<i32>} : memref<16x128xf32, #tpu.memory_space<vmem>>, vector<1x16xf32>,
    %swap3A_844 = arith.constant 15 : i32
    %swap3A_845 = arith.index_cast %swap3A_844 : i32 to index
    %swap3A_846 = arith.constant 64 : index
    %swap3A_847 = tpu.vector_load %arg8[%swap3A_845, %swap3A_846] {strides = array<i32>} : memref<16x128xf32, #tpu.memory_space<vmem>>, vector<1x16xf32>,
    %swap3A_848 = vector.shape_cast %swap3A_847 : vector<1x16xf32> to vector<16xf32>
    %swap3A_849 = vector.shape_cast %broadcast_in_dim3A_99 : vector<16xf32> to vector<1x16xf32>
    tpu.vector_store %arg8[%swap3A_845, %swap3A_846], %swap3A_849 {strides = array<i32>} : memref<16x128xf32, #tpu.memory_space<vmem>>, vector<1x16xf32>,
    %swap3A_850 = arith.constant 15 : i32
    %swap3A_851 = arith.index_cast %swap3A_850 : i32 to index
    %swap3A_852 = arith.constant 80 : index
    %swap3A_853 = tpu.vector_load %arg8[%swap3A_851, %swap3A_852] {strides = array<i32>} : memref<16x128xf32, #tpu.memory_space<vmem>>, vector<1x16xf32>,
    %swap3A_854 = vector.shape_cast %swap3A_853 : vector<1x16xf32> to vector<16xf32>
    %swap3A_855 = vector.shape_cast %broadcast_in_dim3A_99 : vector<16xf32> to vector<1x16xf32>
    tpu.vector_store %arg8[%swap3A_851, %swap3A_852], %swap3A_855 {strides = array<i32>} : memref<16x128xf32, #tpu.memory_space<vmem>>, vector<1x16xf32>,
    %swap3A_856 = arith.constant 15 : i32
    %swap3A_857 = arith.index_cast %swap3A_856 : i32 to index
    %swap3A_858 = arith.constant 96 : index
    %swap3A_859 = tpu.vector_load %arg8[%swap3A_857, %swap3A_858] {strides = array<i32>} : memref<16x128xf32, #tpu.memory_space<vmem>>, vector<1x16xf32>,
    %swap3A_860 = vector.shape_cast %swap3A_859 : vector<1x16xf32> to vector<16xf32>
    %swap3A_861 = vector.shape_cast %broadcast_in_dim3A_99 : vector<16xf32> to vector<1x16xf32>
    tpu.vector_store %arg8[%swap3A_857, %swap3A_858], %swap3A_861 {strides = array<i32>} : memref<16x128xf32, #tpu.memory_space<vmem>>, vector<1x16xf32>,
    %swap3A_862 = arith.constant 15 : i32
    %swap3A_863 = arith.index_cast %swap3A_862 : i32 to index
    %swap3A_864 = arith.constant 112 : index
    %swap3A_865 = tpu.vector_load %arg8[%swap3A_863, %swap3A_864] {strides = array<i32>} : memref<16x128xf32, #tpu.memory_space<vmem>>, vector<1x16xf32>,
    %swap3A_866 = vector.shape_cast %swap3A_865 : vector<1x16xf32> to vector<16xf32>
    %swap3A_867 = vector.shape_cast %broadcast_in_dim3A_99 : vector<16xf32> to vector<1x16xf32>
    tpu.vector_store %arg8[%swap3A_863, %swap3A_864], %swap3A_867 {strides = array<i32>} : memref<16x128xf32, #tpu.memory_space<vmem>>, vector<1x16xf32>,
    %eq3A = arith.constant 0 : i32
    %eq3A_868 = arith.cmpi eq, %arg1, %eq3A : i32
    %convert_element_type3A = arith.extui %eq3A_868 : i1 to i32
    %cond3A = arith.constant 0 : i32
    %cond3A_869 = arith.cmpi ne, %convert_element_type3A, %cond3A : i32
    scf.if %cond3A_869 {
      "tpu.region"() ({
        %run_scoped3A = tpu.sem_alloc : memref<!tpu.dma_semaphore, #tpu.memory_space<semaphore_mem>>
        tpu.enqueue_dma source(%arg8 : memref<16x128xf32, #tpu.memory_space<vmem>>) target(%arg9 : memref<16x128xf32, #tpu.memory_space<vmem_shared>>) target_semaphore(%run_scoped3A : memref<!tpu.dma_semaphore, #tpu.memory_space<semaphore_mem>>)
        tpu.wait_dma2 semaphore(%run_scoped3A : memref<!tpu.dma_semaphore, #tpu.memory_space<semaphore_mem>>) src(%arg8 : memref<16x128xf32, #tpu.memory_space<vmem>>) dst(%arg9 : memref<16x128xf32, #tpu.memory_space<vmem_shared>>)
        tpu.yield
      }) : () -> ()
    } else {
    }
    %barrier3A = arith.constant 0 : index
    tpu.barrier barrier_id(%barrier3A)
    %add3A_870 = arith.constant 0 : i32
    %add3A_871 = arith.addi %add3A_4, %add3A_870 : i32
    %dma_wait3A = arith.constant 0 : i32
    %dma_wait3A_872 = tpu.memref_slice %arg2[%add3A_6, %dma_wait3A] : memref<32768x128xf32, #tpu.memory_space<hbm>> -> memref<64x128xf32, #tpu.memory_space<hbm>>
    %dma_wait3A_873 = arith.constant 0 : i32
    %dma_wait3A_874 = tpu.memref_slice %arg2[%add3A_6, %dma_wait3A_873] : memref<32768x128xf32, #tpu.memory_space<hbm>> -> memref<64x128xf32, #tpu.memory_space<hbm>>
    tpu.wait_dma2 semaphore(%arg11 : memref<!tpu.dma_semaphore, #tpu.memory_space<semaphore_mem>>) src(%dma_wait3A_874 : memref<64x128xf32, #tpu.memory_space<hbm>>) dst(%arg6 : memref<64x128xf32, #tpu.memory_space<vmem>>)
    %scan3A = arith.constant 0 : i32
    %scan3A_875 = arith.constant 0 : i32
    %scan3A_876 = arith.constant 16 : i32
    %scan3A_877 = arith.addi %scan3A_875, %scan3A_876 : i32
    %scan3A_878 = arith.constant 1 : i32
    %scan3A_879 = scf.for %scan3A_900 = %scan3A_875 to %scan3A_877 step %scan3A_878 iter_args(%scan3A_901 = %scan3A) -> (i32)  : i32 {
      %get3A_902 = arith.index_cast %scan3A_900 : i32 to index
      %get3A_903 = memref.load %arg10[%get3A_902] : memref<17xi32, #tpu.memory_space<smem>>
      %sub3A = arith.subi %get3A_903, %add3A_871 : i32
      %jit3A = arith.constant 0 : i32
      %jit3A_904 = arith.constant 64 : i32
      %max3A = arith.maxsi %jit3A, %sub3A : i32
      %min3A = arith.minsi %jit3A_904, %max3A : i32
      %add3A_905 = arith.constant 1 : i32
      %add3A_906 = arith.addi %scan3A_900, %add3A_905 : i32
      %get3A_907 = arith.index_cast %add3A_906 : i32 to index
      %get3A_908 = memref.load %arg10[%get3A_907] : memref<17xi32, #tpu.memory_space<smem>>
      %sub3A_909 = arith.subi %get3A_908, %add3A_871 : i32
      %jit3A_910 = arith.constant 0 : i32
      %jit3A_911 = arith.constant 64 : i32
      %max3A_912 = arith.maxsi %jit3A_910, %sub3A_909 : i32
      %min3A_913 = arith.minsi %jit3A_911, %max3A_912 : i32
      %gt3A = arith.cmpi sgt, %min3A_913, %min3A : i32
      %convert_element_type3A_914 = arith.extui %gt3A : i1 to i32
      %cond3A_915 = arith.constant 0 : i32
      %cond3A_916 = arith.cmpi ne, %convert_element_type3A_914, %cond3A_915 : i32
      scf.if %cond3A_916 {
        %parallel_loop3A = arith.constant 1 : i32
        %parallel_loop3A_918:8 = scf.for %parallel_loop3A_999 = %min3A to %min3A_913 step %parallel_loop3A iter_args(%parallel_loop3A_1000 = %broadcast_in_dim3A_99, %parallel_loop3A_1001 = %broadcast_in_dim3A_99, %parallel_loop3A_1002 = %broadcast_in_dim3A_99, %parallel_loop3A_1003 = %broadcast_in_dim3A_99, %parallel_loop3A_1004 = %broadcast_in_dim3A_99, %parallel_loop3A_1005 = %broadcast_in_dim3A_99, %parallel_loop3A_1006 = %broadcast_in_dim3A_99, %parallel_loop3A_1007 = %broadcast_in_dim3A_99) -> (vector<16xf32>, vector<16xf32>, vector<16xf32>, vector<16xf32>, vector<16xf32>, vector<16xf32>, vector<16xf32>, vector<16xf32>)  : i32 {
          %parallel_loop3A_1008 = arith.index_cast %parallel_loop3A_999 : i32 to index
          %parallel_loop3A_1009 = arith.constant 0 : index
          %parallel_loop3A_1010 = tpu.vector_load %arg6[%parallel_loop3A_1008, %parallel_loop3A_1009] {strides = array<i32>} : memref<64x128xf32, #tpu.memory_space<vmem>>, vector<1x16xf32>,
          %parallel_loop3A_1011 = vector.shape_cast %parallel_loop3A_1010 : vector<1x16xf32> to vector<16xf32>
          %parallel_loop3A_1012 = arith.addf %parallel_loop3A_1000, %parallel_loop3A_1011 : vector<16xf32>
          %parallel_loop3A_1013 = arith.index_cast %parallel_loop3A_999 : i32 to index
          %parallel_loop3A_1014 = arith.constant 16 : index
          %parallel_loop3A_1015 = tpu.vector_load %arg6[%parallel_loop3A_1013, %parallel_loop3A_1014] {strides = array<i32>} : memref<64x128xf32, #tpu.memory_space<vmem>>, vector<1x16xf32>,
          %parallel_loop3A_1016 = vector.shape_cast %parallel_loop3A_1015 : vector<1x16xf32> to vector<16xf32>
          %parallel_loop3A_1017 = arith.addf %parallel_loop3A_1001, %parallel_loop3A_1016 : vector<16xf32>
          %parallel_loop3A_1018 = arith.index_cast %parallel_loop3A_999 : i32 to index
          %parallel_loop3A_1019 = arith.constant 32 : index
          %parallel_loop3A_1020 = tpu.vector_load %arg6[%parallel_loop3A_1018, %parallel_loop3A_1019] {strides = array<i32>} : memref<64x128xf32, #tpu.memory_space<vmem>>, vector<1x16xf32>,
          %parallel_loop3A_1021 = vector.shape_cast %parallel_loop3A_1020 : vector<1x16xf32> to vector<16xf32>
          %parallel_loop3A_1022 = arith.addf %parallel_loop3A_1002, %parallel_loop3A_1021 : vector<16xf32>
          %parallel_loop3A_1023 = arith.index_cast %parallel_loop3A_999 : i32 to index
          %parallel_loop3A_1024 = arith.constant 48 : index
          %parallel_loop3A_1025 = tpu.vector_load %arg6[%parallel_loop3A_1023, %parallel_loop3A_1024] {strides = array<i32>} : memref<64x128xf32, #tpu.memory_space<vmem>>, vector<1x16xf32>,
          %parallel_loop3A_1026 = vector.shape_cast %parallel_loop3A_1025 : vector<1x16xf32> to vector<16xf32>
          %parallel_loop3A_1027 = arith.addf %parallel_loop3A_1003, %parallel_loop3A_1026 : vector<16xf32>
          %parallel_loop3A_1028 = arith.index_cast %parallel_loop3A_999 : i32 to index
          %parallel_loop3A_1029 = arith.constant 64 : index
          %parallel_loop3A_1030 = tpu.vector_load %arg6[%parallel_loop3A_1028, %parallel_loop3A_1029] {strides = array<i32>} : memref<64x128xf32, #tpu.memory_space<vmem>>, vector<1x16xf32>,
          %parallel_loop3A_1031 = vector.shape_cast %parallel_loop3A_1030 : vector<1x16xf32> to vector<16xf32>
          %parallel_loop3A_1032 = arith.addf %parallel_loop3A_1004, %parallel_loop3A_1031 : vector<16xf32>
          %parallel_loop3A_1033 = arith.index_cast %parallel_loop3A_999 : i32 to index
          %parallel_loop3A_1034 = arith.constant 80 : index
          %parallel_loop3A_1035 = tpu.vector_load %arg6[%parallel_loop3A_1033, %parallel_loop3A_1034] {strides = array<i32>} : memref<64x128xf32, #tpu.memory_space<vmem>>, vector<1x16xf32>,
          %parallel_loop3A_1036 = vector.shape_cast %parallel_loop3A_1035 : vector<1x16xf32> to vector<16xf32>
          %parallel_loop3A_1037 = arith.addf %parallel_loop3A_1005, %parallel_loop3A_1036 : vector<16xf32>
          %parallel_loop3A_1038 = arith.index_cast %parallel_loop3A_999 : i32 to index
          %parallel_loop3A_1039 = arith.constant 96 : index
          %parallel_loop3A_1040 = tpu.vector_load %arg6[%parallel_loop3A_1038, %parallel_loop3A_1039] {strides = array<i32>} : memref<64x128xf32, #tpu.memory_space<vmem>>, vector<1x16xf32>,
          %parallel_loop3A_1041 = vector.shape_cast %parallel_loop3A_1040 : vector<1x16xf32> to vector<16xf32>
          %parallel_loop3A_1042 = arith.addf %parallel_loop3A_1006, %parallel_loop3A_1041 : vector<16xf32>
          %parallel_loop3A_1043 = arith.index_cast %parallel_loop3A_999 : i32 to index
          %parallel_loop3A_1044 = arith.constant 112 : index
          %parallel_loop3A_1045 = tpu.vector_load %arg6[%parallel_loop3A_1043, %parallel_loop3A_1044] {strides = array<i32>} : memref<64x128xf32, #tpu.memory_space<vmem>>, vector<1x16xf32>,
          %parallel_loop3A_1046 = vector.shape_cast %parallel_loop3A_1045 : vector<1x16xf32> to vector<16xf32>
          %parallel_loop3A_1047 = arith.addf %parallel_loop3A_1007, %parallel_loop3A_1046 : vector<16xf32>
          scf.yield %parallel_loop3A_1012, %parallel_loop3A_1017, %parallel_loop3A_1022, %parallel_loop3A_1027, %parallel_loop3A_1032, %parallel_loop3A_1037, %parallel_loop3A_1042, %parallel_loop3A_1047 : vector<16xf32>, vector<16xf32>, vector<16xf32>, vector<16xf32>, vector<16xf32>, vector<16xf32>, vector<16xf32>, vector<16xf32>
        } {sc.loop_unroll_factor = 2 : i64, sc.parallel_access}
        %get3A_919 = arith.index_cast %scan3A_900 : i32 to index
        %get3A_920 = arith.constant 0 : index
        %get3A_921 = tpu.vector_load %arg8[%get3A_919, %get3A_920] {strides = array<i32>} : memref<16x128xf32, #tpu.memory_space<vmem>>, vector<1x16xf32>,
        %get3A_922 = vector.shape_cast %get3A_921 : vector<1x16xf32> to vector<16xf32>
        %add3A_923 = arith.addf %get3A_922, %parallel_loop3A_918#0 : vector<16xf32>
        %swap3A_924 = arith.index_cast %scan3A_900 : i32 to index
        %swap3A_925 = arith.constant 0 : index
        %swap3A_926 = tpu.vector_load %arg8[%swap3A_924, %swap3A_925] {strides = array<i32>} : memref<16x128xf32, #tpu.memory_space<vmem>>, vector<1x16xf32>,
        %swap3A_927 = vector.shape_cast %swap3A_926 : vector<1x16xf32> to vector<16xf32>
        %swap3A_928 = vector.shape_cast %add3A_923 : vector<16xf32> to vector<1x16xf32>
        tpu.vector_store %arg8[%swap3A_924, %swap3A_925], %swap3A_928 {strides = array<i32>} : memref<16x128xf32, #tpu.memory_space<vmem>>, vector<1x16xf32>,
        %get3A_929 = arith.index_cast %scan3A_900 : i32 to index
        %get3A_930 = arith.constant 16 : index
        %get3A_931 = tpu.vector_load %arg8[%get3A_929, %get3A_930] {strides = array<i32>} : memref<16x128xf32, #tpu.memory_space<vmem>>, vector<1x16xf32>,
        %get3A_932 = vector.shape_cast %get3A_931 : vector<1x16xf32> to vector<16xf32>
        %add3A_933 = arith.addf %get3A_932, %parallel_loop3A_918#1 : vector<16xf32>
        %swap3A_934 = arith.index_cast %scan3A_900 : i32 to index
        %swap3A_935 = arith.constant 16 : index
        %swap3A_936 = tpu.vector_load %arg8[%swap3A_934, %swap3A_935] {strides = array<i32>} : memref<16x128xf32, #tpu.memory_space<vmem>>, vector<1x16xf32>,
        %swap3A_937 = vector.shape_cast %swap3A_936 : vector<1x16xf32> to vector<16xf32>
        %swap3A_938 = vector.shape_cast %add3A_933 : vector<16xf32> to vector<1x16xf32>
        tpu.vector_store %arg8[%swap3A_934, %swap3A_935], %swap3A_938 {strides = array<i32>} : memref<16x128xf32, #tpu.memory_space<vmem>>, vector<1x16xf32>,
        %get3A_939 = arith.index_cast %scan3A_900 : i32 to index
        %get3A_940 = arith.constant 32 : index
        %get3A_941 = tpu.vector_load %arg8[%get3A_939, %get3A_940] {strides = array<i32>} : memref<16x128xf32, #tpu.memory_space<vmem>>, vector<1x16xf32>,
        %get3A_942 = vector.shape_cast %get3A_941 : vector<1x16xf32> to vector<16xf32>
        %add3A_943 = arith.addf %get3A_942, %parallel_loop3A_918#2 : vector<16xf32>
        %swap3A_944 = arith.index_cast %scan3A_900 : i32 to index
        %swap3A_945 = arith.constant 32 : index
        %swap3A_946 = tpu.vector_load %arg8[%swap3A_944, %swap3A_945] {strides = array<i32>} : memref<16x128xf32, #tpu.memory_space<vmem>>, vector<1x16xf32>,
        %swap3A_947 = vector.shape_cast %swap3A_946 : vector<1x16xf32> to vector<16xf32>
        %swap3A_948 = vector.shape_cast %add3A_943 : vector<16xf32> to vector<1x16xf32>
        tpu.vector_store %arg8[%swap3A_944, %swap3A_945], %swap3A_948 {strides = array<i32>} : memref<16x128xf32, #tpu.memory_space<vmem>>, vector<1x16xf32>,
        %get3A_949 = arith.index_cast %scan3A_900 : i32 to index
        %get3A_950 = arith.constant 48 : index
        %get3A_951 = tpu.vector_load %arg8[%get3A_949, %get3A_950] {strides = array<i32>} : memref<16x128xf32, #tpu.memory_space<vmem>>, vector<1x16xf32>,
        %get3A_952 = vector.shape_cast %get3A_951 : vector<1x16xf32> to vector<16xf32>
        %add3A_953 = arith.addf %get3A_952, %parallel_loop3A_918#3 : vector<16xf32>
        %swap3A_954 = arith.index_cast %scan3A_900 : i32 to index
        %swap3A_955 = arith.constant 48 : index
        %swap3A_956 = tpu.vector_load %arg8[%swap3A_954, %swap3A_955] {strides = array<i32>} : memref<16x128xf32, #tpu.memory_space<vmem>>, vector<1x16xf32>,
        %swap3A_957 = vector.shape_cast %swap3A_956 : vector<1x16xf32> to vector<16xf32>
        %swap3A_958 = vector.shape_cast %add3A_953 : vector<16xf32> to vector<1x16xf32>
        tpu.vector_store %arg8[%swap3A_954, %swap3A_955], %swap3A_958 {strides = array<i32>} : memref<16x128xf32, #tpu.memory_space<vmem>>, vector<1x16xf32>,
        %get3A_959 = arith.index_cast %scan3A_900 : i32 to index
        %get3A_960 = arith.constant 64 : index
        %get3A_961 = tpu.vector_load %arg8[%get3A_959, %get3A_960] {strides = array<i32>} : memref<16x128xf32, #tpu.memory_space<vmem>>, vector<1x16xf32>,
        %get3A_962 = vector.shape_cast %get3A_961 : vector<1x16xf32> to vector<16xf32>
        %add3A_963 = arith.addf %get3A_962, %parallel_loop3A_918#4 : vector<16xf32>
        %swap3A_964 = arith.index_cast %scan3A_900 : i32 to index
        %swap3A_965 = arith.constant 64 : index
        %swap3A_966 = tpu.vector_load %arg8[%swap3A_964, %swap3A_965] {strides = array<i32>} : memref<16x128xf32, #tpu.memory_space<vmem>>, vector<1x16xf32>,
        %swap3A_967 = vector.shape_cast %swap3A_966 : vector<1x16xf32> to vector<16xf32>
        %swap3A_968 = vector.shape_cast %add3A_963 : vector<16xf32> to vector<1x16xf32>
        tpu.vector_store %arg8[%swap3A_964, %swap3A_965], %swap3A_968 {strides = array<i32>} : memref<16x128xf32, #tpu.memory_space<vmem>>, vector<1x16xf32>,
        %get3A_969 = arith.index_cast %scan3A_900 : i32 to index
        %get3A_970 = arith.constant 80 : index
        %get3A_971 = tpu.vector_load %arg8[%get3A_969, %get3A_970] {strides = array<i32>} : memref<16x128xf32, #tpu.memory_space<vmem>>, vector<1x16xf32>,
        %get3A_972 = vector.shape_cast %get3A_971 : vector<1x16xf32> to vector<16xf32>
        %add3A_973 = arith.addf %get3A_972, %parallel_loop3A_918#5 : vector<16xf32>
        %swap3A_974 = arith.index_cast %scan3A_900 : i32 to index
        %swap3A_975 = arith.constant 80 : index
        %swap3A_976 = tpu.vector_load %arg8[%swap3A_974, %swap3A_975] {strides = array<i32>} : memref<16x128xf32, #tpu.memory_space<vmem>>, vector<1x16xf32>,
        %swap3A_977 = vector.shape_cast %swap3A_976 : vector<1x16xf32> to vector<16xf32>
        %swap3A_978 = vector.shape_cast %add3A_973 : vector<16xf32> to vector<1x16xf32>
        tpu.vector_store %arg8[%swap3A_974, %swap3A_975], %swap3A_978 {strides = array<i32>} : memref<16x128xf32, #tpu.memory_space<vmem>>, vector<1x16xf32>,
        %get3A_979 = arith.index_cast %scan3A_900 : i32 to index
        %get3A_980 = arith.constant 96 : index
        %get3A_981 = tpu.vector_load %arg8[%get3A_979, %get3A_980] {strides = array<i32>} : memref<16x128xf32, #tpu.memory_space<vmem>>, vector<1x16xf32>,
        %get3A_982 = vector.shape_cast %get3A_981 : vector<1x16xf32> to vector<16xf32>
        %add3A_983 = arith.addf %get3A_982, %parallel_loop3A_918#6 : vector<16xf32>
        %swap3A_984 = arith.index_cast %scan3A_900 : i32 to index
        %swap3A_985 = arith.constant 96 : index
        %swap3A_986 = tpu.vector_load %arg8[%swap3A_984, %swap3A_985] {strides = array<i32>} : memref<16x128xf32, #tpu.memory_space<vmem>>, vector<1x16xf32>,
        %swap3A_987 = vector.shape_cast %swap3A_986 : vector<1x16xf32> to vector<16xf32>
        %swap3A_988 = vector.shape_cast %add3A_983 : vector<16xf32> to vector<1x16xf32>
        tpu.vector_store %arg8[%swap3A_984, %swap3A_985], %swap3A_988 {strides = array<i32>} : memref<16x128xf32, #tpu.memory_space<vmem>>, vector<1x16xf32>,
        %get3A_989 = arith.index_cast %scan3A_900 : i32 to index
        %get3A_990 = arith.constant 112 : index
        %get3A_991 = tpu.vector_load %arg8[%get3A_989, %get3A_990] {strides = array<i32>} : memref<16x128xf32, #tpu.memory_space<vmem>>, vector<1x16xf32>,
        %get3A_992 = vector.shape_cast %get3A_991 : vector<1x16xf32> to vector<16xf32>
        %add3A_993 = arith.addf %get3A_992, %parallel_loop3A_918#7 : vector<16xf32>
        %swap3A_994 = arith.index_cast %scan3A_900 : i32 to index
        %swap3A_995 = arith.constant 112 : index
        %swap3A_996 = tpu.vector_load %arg8[%swap3A_994, %swap3A_995] {strides = array<i32>} : memref<16x128xf32, #tpu.memory_space<vmem>>, vector<1x16xf32>,
        %swap3A_997 = vector.shape_cast %swap3A_996 : vector<1x16xf32> to vector<16xf32>
        %swap3A_998 = vector.shape_cast %add3A_993 : vector<16xf32> to vector<1x16xf32>
        tpu.vector_store %arg8[%swap3A_994, %swap3A_995], %swap3A_998 {strides = array<i32>} : memref<16x128xf32, #tpu.memory_space<vmem>>, vector<1x16xf32>,
      } else {
      }
      %scan3A_917 = arith.constant 0 : i32
      scf.yield %scan3A_917 : i32
    }
    %scan3A_880 = arith.constant 16 : i32
    %add3A_881 = arith.constant 64 : i32
    %add3A_882 = arith.addi %add3A_4, %add3A_881 : i32
    %dma_wait3A_883 = arith.constant 0 : i32
    %dma_wait3A_884 = tpu.memref_slice %arg2[%add3A_11, %dma_wait3A_883] : memref<32768x128xf32, #tpu.memory_space<hbm>> -> memref<64x128xf32, #tpu.memory_space<hbm>>
    %dma_wait3A_885 = arith.constant 0 : i32
    %dma_wait3A_886 = tpu.memref_slice %arg2[%add3A_11, %dma_wait3A_885] : memref<32768x128xf32, #tpu.memory_space<hbm>> -> memref<64x128xf32, #tpu.memory_space<hbm>>
    tpu.wait_dma2 semaphore(%arg12 : memref<!tpu.dma_semaphore, #tpu.memory_space<semaphore_mem>>) src(%dma_wait3A_886 : memref<64x128xf32, #tpu.memory_space<hbm>>) dst(%arg7 : memref<64x128xf32, #tpu.memory_space<vmem>>)
    %scan3A_887 = arith.constant 0 : i32
    %scan3A_888 = arith.constant 0 : i32
    %scan3A_889 = arith.constant 16 : i32
    %scan3A_890 = arith.addi %scan3A_888, %scan3A_889 : i32
    %scan3A_891 = arith.constant 1 : i32
    %scan3A_892 = scf.for %scan3A_900 = %scan3A_888 to %scan3A_890 step %scan3A_891 iter_args(%scan3A_901 = %scan3A_887) -> (i32)  : i32 {
      %get3A_902 = arith.index_cast %scan3A_900 : i32 to index
      %get3A_903 = memref.load %arg10[%get3A_902] : memref<17xi32, #tpu.memory_space<smem>>
      %sub3A = arith.subi %get3A_903, %add3A_882 : i32
      %jit3A = arith.constant 0 : i32
      %jit3A_904 = arith.constant 64 : i32
      %max3A = arith.maxsi %jit3A, %sub3A : i32
      %min3A = arith.minsi %jit3A_904, %max3A : i32
      %add3A_905 = arith.constant 1 : i32
      %add3A_906 = arith.addi %scan3A_900, %add3A_905 : i32
      %get3A_907 = arith.index_cast %add3A_906 : i32 to index
      %get3A_908 = memref.load %arg10[%get3A_907] : memref<17xi32, #tpu.memory_space<smem>>
      %sub3A_909 = arith.subi %get3A_908, %add3A_882 : i32
      %jit3A_910 = arith.constant 0 : i32
      %jit3A_911 = arith.constant 64 : i32
      %max3A_912 = arith.maxsi %jit3A_910, %sub3A_909 : i32
      %min3A_913 = arith.minsi %jit3A_911, %max3A_912 : i32
      %gt3A = arith.cmpi sgt, %min3A_913, %min3A : i32
      %convert_element_type3A_914 = arith.extui %gt3A : i1 to i32
      %cond3A_915 = arith.constant 0 : i32
      %cond3A_916 = arith.cmpi ne, %convert_element_type3A_914, %cond3A_915 : i32
      scf.if %cond3A_916 {
        %parallel_loop3A = arith.constant 1 : i32
        %parallel_loop3A_918:8 = scf.for %parallel_loop3A_999 = %min3A to %min3A_913 step %parallel_loop3A iter_args(%parallel_loop3A_1000 = %broadcast_in_dim3A_99, %parallel_loop3A_1001 = %broadcast_in_dim3A_99, %parallel_loop3A_1002 = %broadcast_in_dim3A_99, %parallel_loop3A_1003 = %broadcast_in_dim3A_99, %parallel_loop3A_1004 = %broadcast_in_dim3A_99, %parallel_loop3A_1005 = %broadcast_in_dim3A_99, %parallel_loop3A_1006 = %broadcast_in_dim3A_99, %parallel_loop3A_1007 = %broadcast_in_dim3A_99) -> (vector<16xf32>, vector<16xf32>, vector<16xf32>, vector<16xf32>, vector<16xf32>, vector<16xf32>, vector<16xf32>, vector<16xf32>)  : i32 {
          %parallel_loop3A_1008 = arith.index_cast %parallel_loop3A_999 : i32 to index
          %parallel_loop3A_1009 = arith.constant 0 : index
          %parallel_loop3A_1010 = tpu.vector_load %arg7[%parallel_loop3A_1008, %parallel_loop3A_1009] {strides = array<i32>} : memref<64x128xf32, #tpu.memory_space<vmem>>, vector<1x16xf32>,
          %parallel_loop3A_1011 = vector.shape_cast %parallel_loop3A_1010 : vector<1x16xf32> to vector<16xf32>
          %parallel_loop3A_1012 = arith.addf %parallel_loop3A_1000, %parallel_loop3A_1011 : vector<16xf32>
          %parallel_loop3A_1013 = arith.index_cast %parallel_loop3A_999 : i32 to index
          %parallel_loop3A_1014 = arith.constant 16 : index
          %parallel_loop3A_1015 = tpu.vector_load %arg7[%parallel_loop3A_1013, %parallel_loop3A_1014] {strides = array<i32>} : memref<64x128xf32, #tpu.memory_space<vmem>>, vector<1x16xf32>,
          %parallel_loop3A_1016 = vector.shape_cast %parallel_loop3A_1015 : vector<1x16xf32> to vector<16xf32>
          %parallel_loop3A_1017 = arith.addf %parallel_loop3A_1001, %parallel_loop3A_1016 : vector<16xf32>
          %parallel_loop3A_1018 = arith.index_cast %parallel_loop3A_999 : i32 to index
          %parallel_loop3A_1019 = arith.constant 32 : index
          %parallel_loop3A_1020 = tpu.vector_load %arg7[%parallel_loop3A_1018, %parallel_loop3A_1019] {strides = array<i32>} : memref<64x128xf32, #tpu.memory_space<vmem>>, vector<1x16xf32>,
          %parallel_loop3A_1021 = vector.shape_cast %parallel_loop3A_1020 : vector<1x16xf32> to vector<16xf32>
          %parallel_loop3A_1022 = arith.addf %parallel_loop3A_1002, %parallel_loop3A_1021 : vector<16xf32>
          %parallel_loop3A_1023 = arith.index_cast %parallel_loop3A_999 : i32 to index
          %parallel_loop3A_1024 = arith.constant 48 : index
          %parallel_loop3A_1025 = tpu.vector_load %arg7[%parallel_loop3A_1023, %parallel_loop3A_1024] {strides = array<i32>} : memref<64x128xf32, #tpu.memory_space<vmem>>, vector<1x16xf32>,
          %parallel_loop3A_1026 = vector.shape_cast %parallel_loop3A_1025 : vector<1x16xf32> to vector<16xf32>
          %parallel_loop3A_1027 = arith.addf %parallel_loop3A_1003, %parallel_loop3A_1026 : vector<16xf32>
          %parallel_loop3A_1028 = arith.index_cast %parallel_loop3A_999 : i32 to index
          %parallel_loop3A_1029 = arith.constant 64 : index
          %parallel_loop3A_1030 = tpu.vector_load %arg7[%parallel_loop3A_1028, %parallel_loop3A_1029] {strides = array<i32>} : memref<64x128xf32, #tpu.memory_space<vmem>>, vector<1x16xf32>,
          %parallel_loop3A_1031 = vector.shape_cast %parallel_loop3A_1030 : vector<1x16xf32> to vector<16xf32>
          %parallel_loop3A_1032 = arith.addf %parallel_loop3A_1004, %parallel_loop3A_1031 : vector<16xf32>
          %parallel_loop3A_1033 = arith.index_cast %parallel_loop3A_999 : i32 to index
          %parallel_loop3A_1034 = arith.constant 80 : index
          %parallel_loop3A_1035 = tpu.vector_load %arg7[%parallel_loop3A_1033, %parallel_loop3A_1034] {strides = array<i32>} : memref<64x128xf32, #tpu.memory_space<vmem>>, vector<1x16xf32>,
          %parallel_loop3A_1036 = vector.shape_cast %parallel_loop3A_1035 : vector<1x16xf32> to vector<16xf32>
          %parallel_loop3A_1037 = arith.addf %parallel_loop3A_1005, %parallel_loop3A_1036 : vector<16xf32>
          %parallel_loop3A_1038 = arith.index_cast %parallel_loop3A_999 : i32 to index
          %parallel_loop3A_1039 = arith.constant 96 : index
          %parallel_loop3A_1040 = tpu.vector_load %arg7[%parallel_loop3A_1038, %parallel_loop3A_1039] {strides = array<i32>} : memref<64x128xf32, #tpu.memory_space<vmem>>, vector<1x16xf32>,
          %parallel_loop3A_1041 = vector.shape_cast %parallel_loop3A_1040 : vector<1x16xf32> to vector<16xf32>
          %parallel_loop3A_1042 = arith.addf %parallel_loop3A_1006, %parallel_loop3A_1041 : vector<16xf32>
          %parallel_loop3A_1043 = arith.index_cast %parallel_loop3A_999 : i32 to index
          %parallel_loop3A_1044 = arith.constant 112 : index
          %parallel_loop3A_1045 = tpu.vector_load %arg7[%parallel_loop3A_1043, %parallel_loop3A_1044] {strides = array<i32>} : memref<64x128xf32, #tpu.memory_space<vmem>>, vector<1x16xf32>,
          %parallel_loop3A_1046 = vector.shape_cast %parallel_loop3A_1045 : vector<1x16xf32> to vector<16xf32>
          %parallel_loop3A_1047 = arith.addf %parallel_loop3A_1007, %parallel_loop3A_1046 : vector<16xf32>
          scf.yield %parallel_loop3A_1012, %parallel_loop3A_1017, %parallel_loop3A_1022, %parallel_loop3A_1027, %parallel_loop3A_1032, %parallel_loop3A_1037, %parallel_loop3A_1042, %parallel_loop3A_1047 : vector<16xf32>, vector<16xf32>, vector<16xf32>, vector<16xf32>, vector<16xf32>, vector<16xf32>, vector<16xf32>, vector<16xf32>
        } {sc.loop_unroll_factor = 2 : i64, sc.parallel_access}
        %get3A_919 = arith.index_cast %scan3A_900 : i32 to index
        %get3A_920 = arith.constant 0 : index
        %get3A_921 = tpu.vector_load %arg8[%get3A_919, %get3A_920] {strides = array<i32>} : memref<16x128xf32, #tpu.memory_space<vmem>>, vector<1x16xf32>,
        %get3A_922 = vector.shape_cast %get3A_921 : vector<1x16xf32> to vector<16xf32>
        %add3A_923 = arith.addf %get3A_922, %parallel_loop3A_918#0 : vector<16xf32>
        %swap3A_924 = arith.index_cast %scan3A_900 : i32 to index
        %swap3A_925 = arith.constant 0 : index
        %swap3A_926 = tpu.vector_load %arg8[%swap3A_924, %swap3A_925] {strides = array<i32>} : memref<16x128xf32, #tpu.memory_space<vmem>>, vector<1x16xf32>,
        %swap3A_927 = vector.shape_cast %swap3A_926 : vector<1x16xf32> to vector<16xf32>
        %swap3A_928 = vector.shape_cast %add3A_923 : vector<16xf32> to vector<1x16xf32>
        tpu.vector_store %arg8[%swap3A_924, %swap3A_925], %swap3A_928 {strides = array<i32>} : memref<16x128xf32, #tpu.memory_space<vmem>>, vector<1x16xf32>,
        %get3A_929 = arith.index_cast %scan3A_900 : i32 to index
        %get3A_930 = arith.constant 16 : index
        %get3A_931 = tpu.vector_load %arg8[%get3A_929, %get3A_930] {strides = array<i32>} : memref<16x128xf32, #tpu.memory_space<vmem>>, vector<1x16xf32>,
        %get3A_932 = vector.shape_cast %get3A_931 : vector<1x16xf32> to vector<16xf32>
        %add3A_933 = arith.addf %get3A_932, %parallel_loop3A_918#1 : vector<16xf32>
        %swap3A_934 = arith.index_cast %scan3A_900 : i32 to index
        %swap3A_935 = arith.constant 16 : index
        %swap3A_936 = tpu.vector_load %arg8[%swap3A_934, %swap3A_935] {strides = array<i32>} : memref<16x128xf32, #tpu.memory_space<vmem>>, vector<1x16xf32>,
        %swap3A_937 = vector.shape_cast %swap3A_936 : vector<1x16xf32> to vector<16xf32>
        %swap3A_938 = vector.shape_cast %add3A_933 : vector<16xf32> to vector<1x16xf32>
        tpu.vector_store %arg8[%swap3A_934, %swap3A_935], %swap3A_938 {strides = array<i32>} : memref<16x128xf32, #tpu.memory_space<vmem>>, vector<1x16xf32>,
        %get3A_939 = arith.index_cast %scan3A_900 : i32 to index
        %get3A_940 = arith.constant 32 : index
        %get3A_941 = tpu.vector_load %arg8[%get3A_939, %get3A_940] {strides = array<i32>} : memref<16x128xf32, #tpu.memory_space<vmem>>, vector<1x16xf32>,
        %get3A_942 = vector.shape_cast %get3A_941 : vector<1x16xf32> to vector<16xf32>
        %add3A_943 = arith.addf %get3A_942, %parallel_loop3A_918#2 : vector<16xf32>
        %swap3A_944 = arith.index_cast %scan3A_900 : i32 to index
        %swap3A_945 = arith.constant 32 : index
        %swap3A_946 = tpu.vector_load %arg8[%swap3A_944, %swap3A_945] {strides = array<i32>} : memref<16x128xf32, #tpu.memory_space<vmem>>, vector<1x16xf32>,
        %swap3A_947 = vector.shape_cast %swap3A_946 : vector<1x16xf32> to vector<16xf32>
        %swap3A_948 = vector.shape_cast %add3A_943 : vector<16xf32> to vector<1x16xf32>
        tpu.vector_store %arg8[%swap3A_944, %swap3A_945], %swap3A_948 {strides = array<i32>} : memref<16x128xf32, #tpu.memory_space<vmem>>, vector<1x16xf32>,
        %get3A_949 = arith.index_cast %scan3A_900 : i32 to index
        %get3A_950 = arith.constant 48 : index
        %get3A_951 = tpu.vector_load %arg8[%get3A_949, %get3A_950] {strides = array<i32>} : memref<16x128xf32, #tpu.memory_space<vmem>>, vector<1x16xf32>,
        %get3A_952 = vector.shape_cast %get3A_951 : vector<1x16xf32> to vector<16xf32>
        %add3A_953 = arith.addf %get3A_952, %parallel_loop3A_918#3 : vector<16xf32>
        %swap3A_954 = arith.index_cast %scan3A_900 : i32 to index
        %swap3A_955 = arith.constant 48 : index
        %swap3A_956 = tpu.vector_load %arg8[%swap3A_954, %swap3A_955] {strides = array<i32>} : memref<16x128xf32, #tpu.memory_space<vmem>>, vector<1x16xf32>,
        %swap3A_957 = vector.shape_cast %swap3A_956 : vector<1x16xf32> to vector<16xf32>
        %swap3A_958 = vector.shape_cast %add3A_953 : vector<16xf32> to vector<1x16xf32>
        tpu.vector_store %arg8[%swap3A_954, %swap3A_955], %swap3A_958 {strides = array<i32>} : memref<16x128xf32, #tpu.memory_space<vmem>>, vector<1x16xf32>,
        %get3A_959 = arith.index_cast %scan3A_900 : i32 to index
        %get3A_960 = arith.constant 64 : index
        %get3A_961 = tpu.vector_load %arg8[%get3A_959, %get3A_960] {strides = array<i32>} : memref<16x128xf32, #tpu.memory_space<vmem>>, vector<1x16xf32>,
        %get3A_962 = vector.shape_cast %get3A_961 : vector<1x16xf32> to vector<16xf32>
        %add3A_963 = arith.addf %get3A_962, %parallel_loop3A_918#4 : vector<16xf32>
        %swap3A_964 = arith.index_cast %scan3A_900 : i32 to index
        %swap3A_965 = arith.constant 64 : index
        %swap3A_966 = tpu.vector_load %arg8[%swap3A_964, %swap3A_965] {strides = array<i32>} : memref<16x128xf32, #tpu.memory_space<vmem>>, vector<1x16xf32>,
        %swap3A_967 = vector.shape_cast %swap3A_966 : vector<1x16xf32> to vector<16xf32>
        %swap3A_968 = vector.shape_cast %add3A_963 : vector<16xf32> to vector<1x16xf32>
        tpu.vector_store %arg8[%swap3A_964, %swap3A_965], %swap3A_968 {strides = array<i32>} : memref<16x128xf32, #tpu.memory_space<vmem>>, vector<1x16xf32>,
        %get3A_969 = arith.index_cast %scan3A_900 : i32 to index
        %get3A_970 = arith.constant 80 : index
        %get3A_971 = tpu.vector_load %arg8[%get3A_969, %get3A_970] {strides = array<i32>} : memref<16x128xf32, #tpu.memory_space<vmem>>, vector<1x16xf32>,
        %get3A_972 = vector.shape_cast %get3A_971 : vector<1x16xf32> to vector<16xf32>
        %add3A_973 = arith.addf %get3A_972, %parallel_loop3A_918#5 : vector<16xf32>
        %swap3A_974 = arith.index_cast %scan3A_900 : i32 to index
        %swap3A_975 = arith.constant 80 : index
        %swap3A_976 = tpu.vector_load %arg8[%swap3A_974, %swap3A_975] {strides = array<i32>} : memref<16x128xf32, #tpu.memory_space<vmem>>, vector<1x16xf32>,
        %swap3A_977 = vector.shape_cast %swap3A_976 : vector<1x16xf32> to vector<16xf32>
        %swap3A_978 = vector.shape_cast %add3A_973 : vector<16xf32> to vector<1x16xf32>
        tpu.vector_store %arg8[%swap3A_974, %swap3A_975], %swap3A_978 {strides = array<i32>} : memref<16x128xf32, #tpu.memory_space<vmem>>, vector<1x16xf32>,
        %get3A_979 = arith.index_cast %scan3A_900 : i32 to index
        %get3A_980 = arith.constant 96 : index
        %get3A_981 = tpu.vector_load %arg8[%get3A_979, %get3A_980] {strides = array<i32>} : memref<16x128xf32, #tpu.memory_space<vmem>>, vector<1x16xf32>,
        %get3A_982 = vector.shape_cast %get3A_981 : vector<1x16xf32> to vector<16xf32>
        %add3A_983 = arith.addf %get3A_982, %parallel_loop3A_918#6 : vector<16xf32>
        %swap3A_984 = arith.index_cast %scan3A_900 : i32 to index
        %swap3A_985 = arith.constant 96 : index
        %swap3A_986 = tpu.vector_load %arg8[%swap3A_984, %swap3A_985] {strides = array<i32>} : memref<16x128xf32, #tpu.memory_space<vmem>>, vector<1x16xf32>,
        %swap3A_987 = vector.shape_cast %swap3A_986 : vector<1x16xf32> to vector<16xf32>
        %swap3A_988 = vector.shape_cast %add3A_983 : vector<16xf32> to vector<1x16xf32>
        tpu.vector_store %arg8[%swap3A_984, %swap3A_985], %swap3A_988 {strides = array<i32>} : memref<16x128xf32, #tpu.memory_space<vmem>>, vector<1x16xf32>,
        %get3A_989 = arith.index_cast %scan3A_900 : i32 to index
        %get3A_990 = arith.constant 112 : index
        %get3A_991 = tpu.vector_load %arg8[%get3A_989, %get3A_990] {strides = array<i32>} : memref<16x128xf32, #tpu.memory_space<vmem>>, vector<1x16xf32>,
        %get3A_992 = vector.shape_cast %get3A_991 : vector<1x16xf32> to vector<16xf32>
        %add3A_993 = arith.addf %get3A_992, %parallel_loop3A_918#7 : vector<16xf32>
        %swap3A_994 = arith.index_cast %scan3A_900 : i32 to index
        %swap3A_995 = arith.constant 112 : index
        %swap3A_996 = tpu.vector_load %arg8[%swap3A_994, %swap3A_995] {strides = array<i32>} : memref<16x128xf32, #tpu.memory_space<vmem>>, vector<1x16xf32>,
        %swap3A_997 = vector.shape_cast %swap3A_996 : vector<1x16xf32> to vector<16xf32>
        %swap3A_998 = vector.shape_cast %add3A_993 : vector<16xf32> to vector<1x16xf32>
        tpu.vector_store %arg8[%swap3A_994, %swap3A_995], %swap3A_998 {strides = array<i32>} : memref<16x128xf32, #tpu.memory_space<vmem>>, vector<1x16xf32>,
      } else {
      }
      %scan3A_917 = arith.constant 0 : i32
      scf.yield %scan3A_917 : i32
    }
    %scan3A_893 = arith.constant 16 : i32
    %iota3A = tpu.iota {dimensions = array<i32: 0>} : vector<16xi32>
    "tpu.region"() ({
      %run_scoped3A = tpu.sem_alloc : memref<!tpu.dma_semaphore, #tpu.memory_space<semaphore_mem>>
      %dma_start3A_900 = arith.constant 0 : i32
      %dma_start3A_901 = arith.constant 0 : i32
      %dma_start3A_902 = tpu.memref_slice %arg9[%dma_start3A_900, %dma_start3A_901] : memref<16x128xf32, #tpu.memory_space<vmem_shared>> -> memref<16x128xf32, #tpu.memory_space<vmem_shared>>
      tpu.enqueue_indirect_dma source(%arg8 : memref<16x128xf32, #tpu.memory_space<vmem>>) target(%dma_start3A_902 : memref<16x128xf32, #tpu.memory_space<vmem_shared>>) offsets(%iota3A : vector<16xi32>) semaphore(%run_scoped3A : memref<!tpu.dma_semaphore, #tpu.memory_space<semaphore_mem>>) {add = true}
      %dma_wait3A_903 = arith.constant 0 : i32
      %dma_wait3A_904 = arith.constant 0 : i32
      %dma_wait3A_905 = tpu.memref_slice %arg9[%dma_wait3A_903, %dma_wait3A_904] : memref<16x128xf32, #tpu.memory_space<vmem_shared>> -> memref<16x128xf32, #tpu.memory_space<vmem_shared>>
      tpu.wait_indirect_dma semaphore(%run_scoped3A : memref<!tpu.dma_semaphore, #tpu.memory_space<semaphore_mem>>) src(%arg8 : memref<16x128xf32, #tpu.memory_space<vmem>>) dst(%dma_wait3A_905 : memref<16x128xf32, #tpu.memory_space<vmem_shared>>)
      tpu.yield
    }) : () -> ()
    %barrier3A_894 = arith.constant 0 : index
    tpu.barrier barrier_id(%barrier3A_894)
    %eq3A_895 = arith.constant 0 : i32
    %eq3A_896 = arith.cmpi eq, %arg1, %eq3A_895 : i32
    %convert_element_type3A_897 = arith.extui %eq3A_896 : i1 to i32
    %cond3A_898 = arith.constant 0 : i32
    %cond3A_899 = arith.cmpi ne, %convert_element_type3A_897, %cond3A_898 : i32
    scf.if %cond3A_899 {
      "tpu.region"() ({
        %run_scoped3A = tpu.sem_alloc : memref<!tpu.dma_semaphore, #tpu.memory_space<semaphore_mem>>
        %dma_start3A_900 = arith.constant 0 : i32
        %dma_start3A_901 = arith.constant 0 : i32
        %dma_start3A_902 = tpu.memref_slice %arg4[%arg0, %dma_start3A_900, %dma_start3A_901] : memref<1x16x128xf32, #tpu.memory_space<hbm>> -> memref<1x16x128xf32, #tpu.memory_space<hbm>>
        %dma_start3A_903 = tpu.memref_squeeze %dma_start3A_902 : memref<1x16x128xf32, #tpu.memory_space<hbm>> -> memref<16x128xf32, #tpu.memory_space<hbm>>
        tpu.enqueue_dma source(%arg9 : memref<16x128xf32, #tpu.memory_space<vmem_shared>>) target(%dma_start3A_903 : memref<16x128xf32, #tpu.memory_space<hbm>>) target_semaphore(%run_scoped3A : memref<!tpu.dma_semaphore, #tpu.memory_space<semaphore_mem>>)
        %dma_wait3A_904 = arith.constant 0 : i32
        %dma_wait3A_905 = arith.constant 0 : i32
        %dma_wait3A_906 = tpu.memref_slice %arg4[%arg0, %dma_wait3A_904, %dma_wait3A_905] : memref<1x16x128xf32, #tpu.memory_space<hbm>> -> memref<1x16x128xf32, #tpu.memory_space<hbm>>
        %dma_wait3A_907 = tpu.memref_squeeze %dma_wait3A_906 : memref<1x16x128xf32, #tpu.memory_space<hbm>> -> memref<16x128xf32, #tpu.memory_space<hbm>>
        tpu.wait_dma2 semaphore(%run_scoped3A : memref<!tpu.dma_semaphore, #tpu.memory_space<semaphore_mem>>) src(%arg9 : memref<16x128xf32, #tpu.memory_space<vmem_shared>>) dst(%dma_wait3A_907 : memref<16x128xf32, #tpu.memory_space<hbm>>)
        tpu.yield
      }) : () -> ()
    } else {
    }
    return
  }
}

module attributes {stable_mosaic.version = 14 : i64} {
  func.func @_tc_rowsum_body(%arg0: i32, %arg1: memref<17xi32, #tpu.memory_space<smem>>, %arg2: memref<10240x128xf32, #tpu.memory_space<vmem>>, %arg3: memref<16x128xf32, #tpu.memory_space<vmem>>) attributes {dimension_semantics = [#tpu.dimension_semantics<arbitrary>], iteration_bounds = array<i64: 3>, scalar_prefetch = 0 : i64, scratch_operands = 0 : i64, tpu.core_type = #tpu.core_type<tc>, window_params = [{transform_indices = @transform_0, window_bounds = array<i64: 17>}, {transform_indices = @transform_1, window_bounds = array<i64: 10240, 128>}, {pipeline_mode = #tpu.pipeline_mode<synchronous>, transform_indices = @transform_2, window_bounds = array<i64: 16, 128>}]} {
    %mul3A = arith.constant 10240 : i32
    %mul3A_0 = arith.muli %arg0, %mul3A : i32
    %iota3A = tpu.iota {dimensions = array<i32: 1>} : vector<1x10240xi32>
    %add3A = vector.broadcast %mul3A_0 : i32 to vector<1x10240xi32>
    %add3A_1 = arith.addi %add3A, %iota3A : vector<1x10240xi32>
    %get3A = arith.constant 0 : index
    %get3A_2 = memref.load %arg1[%get3A] : memref<17xi32, #tpu.memory_space<smem>>
    %get3A_3 = arith.constant 1 : index
    %get3A_4 = memref.load %arg1[%get3A_3] : memref<17xi32, #tpu.memory_space<smem>>
    %get3A_5 = arith.constant 2 : index
    %get3A_6 = memref.load %arg1[%get3A_5] : memref<17xi32, #tpu.memory_space<smem>>
    %get3A_7 = arith.constant 3 : index
    %get3A_8 = memref.load %arg1[%get3A_7] : memref<17xi32, #tpu.memory_space<smem>>
    %get3A_9 = arith.constant 4 : index
    %get3A_10 = memref.load %arg1[%get3A_9] : memref<17xi32, #tpu.memory_space<smem>>
    %get3A_11 = arith.constant 5 : index
    %get3A_12 = memref.load %arg1[%get3A_11] : memref<17xi32, #tpu.memory_space<smem>>
    %get3A_13 = arith.constant 6 : index
    %get3A_14 = memref.load %arg1[%get3A_13] : memref<17xi32, #tpu.memory_space<smem>>
    %get3A_15 = arith.constant 7 : index
    %get3A_16 = memref.load %arg1[%get3A_15] : memref<17xi32, #tpu.memory_space<smem>>
    %get3A_17 = arith.constant 8 : index
    %get3A_18 = memref.load %arg1[%get3A_17] : memref<17xi32, #tpu.memory_space<smem>>
    %get3A_19 = arith.constant 9 : index
    %get3A_20 = memref.load %arg1[%get3A_19] : memref<17xi32, #tpu.memory_space<smem>>
    %get3A_21 = arith.constant 10 : index
    %get3A_22 = memref.load %arg1[%get3A_21] : memref<17xi32, #tpu.memory_space<smem>>
    %get3A_23 = arith.constant 11 : index
    %get3A_24 = memref.load %arg1[%get3A_23] : memref<17xi32, #tpu.memory_space<smem>>
    %get3A_25 = arith.constant 12 : index
    %get3A_26 = memref.load %arg1[%get3A_25] : memref<17xi32, #tpu.memory_space<smem>>
    %get3A_27 = arith.constant 13 : index
    %get3A_28 = memref.load %arg1[%get3A_27] : memref<17xi32, #tpu.memory_space<smem>>
    %get3A_29 = arith.constant 14 : index
    %get3A_30 = memref.load %arg1[%get3A_29] : memref<17xi32, #tpu.memory_space<smem>>
    %get3A_31 = arith.constant 15 : index
    %get3A_32 = memref.load %arg1[%get3A_31] : memref<17xi32, #tpu.memory_space<smem>>
    %stack3A = vector.broadcast %get3A_2 : i32 to vector<1xi32>
    %stack3A_33 = vector.broadcast %get3A_4 : i32 to vector<1xi32>
    %stack3A_34 = vector.broadcast %get3A_6 : i32 to vector<1xi32>
    %stack3A_35 = vector.broadcast %get3A_8 : i32 to vector<1xi32>
    %stack3A_36 = vector.broadcast %get3A_10 : i32 to vector<1xi32>
    %stack3A_37 = vector.broadcast %get3A_12 : i32 to vector<1xi32>
    %stack3A_38 = vector.broadcast %get3A_14 : i32 to vector<1xi32>
    %stack3A_39 = vector.broadcast %get3A_16 : i32 to vector<1xi32>
    %stack3A_40 = vector.broadcast %get3A_18 : i32 to vector<1xi32>
    %stack3A_41 = vector.broadcast %get3A_20 : i32 to vector<1xi32>
    %stack3A_42 = vector.broadcast %get3A_22 : i32 to vector<1xi32>
    %stack3A_43 = vector.broadcast %get3A_24 : i32 to vector<1xi32>
    %stack3A_44 = vector.broadcast %get3A_26 : i32 to vector<1xi32>
    %stack3A_45 = vector.broadcast %get3A_28 : i32 to vector<1xi32>
    %stack3A_46 = vector.broadcast %get3A_30 : i32 to vector<1xi32>
    %stack3A_47 = vector.broadcast %get3A_32 : i32 to vector<1xi32>
    %stack3A_48 = tpu.concatenate %stack3A, %stack3A_33, %stack3A_34, %stack3A_35, %stack3A_36, %stack3A_37, %stack3A_38, %stack3A_39, %stack3A_40, %stack3A_41, %stack3A_42, %stack3A_43, %stack3A_44, %stack3A_45, %stack3A_46, %stack3A_47 in 0 : vector<1xi32>, vector<1xi32>, vector<1xi32>, vector<1xi32>, vector<1xi32>, vector<1xi32>, vector<1xi32>, vector<1xi32>, vector<1xi32>, vector<1xi32>, vector<1xi32>, vector<1xi32>, vector<1xi32>, vector<1xi32>, vector<1xi32>, vector<1xi32> -> vector<16xi32>
    %broadcast_in_dim3A = vector.shape_cast %stack3A_48 : vector<16xi32> to vector<16x1xi32>
    %get3A_49 = arith.constant 1 : index
    %get3A_50 = memref.load %arg1[%get3A_49] : memref<17xi32, #tpu.memory_space<smem>>
    %get3A_51 = arith.constant 2 : index
    %get3A_52 = memref.load %arg1[%get3A_51] : memref<17xi32, #tpu.memory_space<smem>>
    %get3A_53 = arith.constant 3 : index
    %get3A_54 = memref.load %arg1[%get3A_53] : memref<17xi32, #tpu.memory_space<smem>>
    %get3A_55 = arith.constant 4 : index
    %get3A_56 = memref.load %arg1[%get3A_55] : memref<17xi32, #tpu.memory_space<smem>>
    %get3A_57 = arith.constant 5 : index
    %get3A_58 = memref.load %arg1[%get3A_57] : memref<17xi32, #tpu.memory_space<smem>>
    %get3A_59 = arith.constant 6 : index
    %get3A_60 = memref.load %arg1[%get3A_59] : memref<17xi32, #tpu.memory_space<smem>>
    %get3A_61 = arith.constant 7 : index
    %get3A_62 = memref.load %arg1[%get3A_61] : memref<17xi32, #tpu.memory_space<smem>>
    %get3A_63 = arith.constant 8 : index
    %get3A_64 = memref.load %arg1[%get3A_63] : memref<17xi32, #tpu.memory_space<smem>>
    %get3A_65 = arith.constant 9 : index
    %get3A_66 = memref.load %arg1[%get3A_65] : memref<17xi32, #tpu.memory_space<smem>>
    %get3A_67 = arith.constant 10 : index
    %get3A_68 = memref.load %arg1[%get3A_67] : memref<17xi32, #tpu.memory_space<smem>>
    %get3A_69 = arith.constant 11 : index
    %get3A_70 = memref.load %arg1[%get3A_69] : memref<17xi32, #tpu.memory_space<smem>>
    %get3A_71 = arith.constant 12 : index
    %get3A_72 = memref.load %arg1[%get3A_71] : memref<17xi32, #tpu.memory_space<smem>>
    %get3A_73 = arith.constant 13 : index
    %get3A_74 = memref.load %arg1[%get3A_73] : memref<17xi32, #tpu.memory_space<smem>>
    %get3A_75 = arith.constant 14 : index
    %get3A_76 = memref.load %arg1[%get3A_75] : memref<17xi32, #tpu.memory_space<smem>>
    %get3A_77 = arith.constant 15 : index
    %get3A_78 = memref.load %arg1[%get3A_77] : memref<17xi32, #tpu.memory_space<smem>>
    %get3A_79 = arith.constant 16 : index
    %get3A_80 = memref.load %arg1[%get3A_79] : memref<17xi32, #tpu.memory_space<smem>>
    %stack3A_81 = vector.broadcast %get3A_50 : i32 to vector<1xi32>
    %stack3A_82 = vector.broadcast %get3A_52 : i32 to vector<1xi32>
    %stack3A_83 = vector.broadcast %get3A_54 : i32 to vector<1xi32>
    %stack3A_84 = vector.broadcast %get3A_56 : i32 to vector<1xi32>
    %stack3A_85 = vector.broadcast %get3A_58 : i32 to vector<1xi32>
    %stack3A_86 = vector.broadcast %get3A_60 : i32 to vector<1xi32>
    %stack3A_87 = vector.broadcast %get3A_62 : i32 to vector<1xi32>
    %stack3A_88 = vector.broadcast %get3A_64 : i32 to vector<1xi32>
    %stack3A_89 = vector.broadcast %get3A_66 : i32 to vector<1xi32>
    %stack3A_90 = vector.broadcast %get3A_68 : i32 to vector<1xi32>
    %stack3A_91 = vector.broadcast %get3A_70 : i32 to vector<1xi32>
    %stack3A_92 = vector.broadcast %get3A_72 : i32 to vector<1xi32>
    %stack3A_93 = vector.broadcast %get3A_74 : i32 to vector<1xi32>
    %stack3A_94 = vector.broadcast %get3A_76 : i32 to vector<1xi32>
    %stack3A_95 = vector.broadcast %get3A_78 : i32 to vector<1xi32>
    %stack3A_96 = vector.broadcast %get3A_80 : i32 to vector<1xi32>
    %stack3A_97 = tpu.concatenate %stack3A_81, %stack3A_82, %stack3A_83, %stack3A_84, %stack3A_85, %stack3A_86, %stack3A_87, %stack3A_88, %stack3A_89, %stack3A_90, %stack3A_91, %stack3A_92, %stack3A_93, %stack3A_94, %stack3A_95, %stack3A_96 in 0 : vector<1xi32>, vector<1xi32>, vector<1xi32>, vector<1xi32>, vector<1xi32>, vector<1xi32>, vector<1xi32>, vector<1xi32>, vector<1xi32>, vector<1xi32>, vector<1xi32>, vector<1xi32>, vector<1xi32>, vector<1xi32>, vector<1xi32>, vector<1xi32> -> vector<16xi32>
    %broadcast_in_dim3A_98 = vector.shape_cast %stack3A_97 : vector<16xi32> to vector<16x1xi32>
    %ge3A = vector.broadcast %add3A_1 : vector<1x10240xi32> to vector<16x10240xi32>
    %ge3A_99 = vector.broadcast %broadcast_in_dim3A : vector<16x1xi32> to vector<16x10240xi32>
    %ge3A_100 = arith.cmpi sge, %ge3A, %ge3A_99 : vector<16x10240xi32>
    %lt3A = vector.broadcast %add3A_1 : vector<1x10240xi32> to vector<16x10240xi32>
    %lt3A_101 = vector.broadcast %broadcast_in_dim3A_98 : vector<16x1xi32> to vector<16x10240xi32>
    %lt3A_102 = arith.cmpi slt, %lt3A, %lt3A_101 : vector<16x10240xi32>
    %and3A = arith.andi %ge3A_100, %lt3A_102 : vector<16x10240xi1>
    %convert_element_type3A = arith.extui %and3A : vector<16x10240xi1> to vector<16x10240xi32>
    %convert_element_type3A_103 = arith.sitofp %convert_element_type3A : vector<16x10240xi32> to vector<16x10240xf32>
    %get3A_104 = arith.constant 0 : index
    %get3A_105 = arith.constant 0 : index
    %get3A_106 = vector.load %arg2[%get3A_104, %get3A_105] : memref<10240x128xf32, #tpu.memory_space<vmem>>, vector<10240x128xf32>
    %dot_general3A = arith.constant dense<0.000000e+00> : vector<16x128xf32>
    %dot_general3A_107 = tpu.matmul %convert_element_type3A_103, %get3A_106, %dot_general3A {dimension_numbers = #tpu.dot_dimension_numbers<[1], [0], [0], [1], [0, 0, 1, 1], [], []>, transpose_lhs_hint = false} : vector<16x10240xf32>, vector<10240x128xf32>, vector<16x128xf32> -> vector<16x128xf32>
    %eq3A = arith.constant 0 : i32
    %eq3A_108 = arith.cmpi eq, %arg0, %eq3A : i32
    %convert_element_type3A_109 = arith.extui %eq3A_108 : i1 to i32
    %cond3A = arith.constant 0 : i32
    %cond3A_110 = arith.cmpi ne, %convert_element_type3A_109, %cond3A : i32
    scf.if %cond3A_110 {
      %broadcast_in_dim3A_117 = arith.constant 0.000000e+00 : f32
      %broadcast_in_dim3A_118 = vector.broadcast %broadcast_in_dim3A_117 : f32 to vector<16x128xf32>
      %swap3A_119 = arith.constant 0 : index
      %swap3A_120 = arith.constant 0 : index
      %swap3A_121 = vector.load %arg3[%swap3A_119, %swap3A_120] : memref<16x128xf32, #tpu.memory_space<vmem>>, vector<16x128xf32>
      tpu.vector_store %arg3[%swap3A_119, %swap3A_120], %broadcast_in_dim3A_118 {strides = array<i32>} : memref<16x128xf32, #tpu.memory_space<vmem>>, vector<16x128xf32>,
    } else {
    }
    %get3A_111 = arith.constant 0 : index
    %get3A_112 = arith.constant 0 : index
    %get3A_113 = vector.load %arg3[%get3A_111, %get3A_112] : memref<16x128xf32, #tpu.memory_space<vmem>>, vector<16x128xf32>
    %add3A_114 = arith.addf %get3A_113, %dot_general3A_107 : vector<16x128xf32>
    %swap3A = arith.constant 0 : index
    %swap3A_115 = arith.constant 0 : index
    %swap3A_116 = vector.load %arg3[%swap3A, %swap3A_115] : memref<16x128xf32, #tpu.memory_space<vmem>>, vector<16x128xf32>
    tpu.vector_store %arg3[%swap3A, %swap3A_115], %add3A_114 {strides = array<i32>} : memref<16x128xf32, #tpu.memory_space<vmem>>, vector<16x128xf32>,
    return
  }
  func.func @transform_0(%arg0: i32) -> i32 {
    %c0_i32 = arith.constant 0 : i32
    %c0_i32_0 = arith.constant 0 : i32
    return %c0_i32 : i32
  }
  func.func @transform_1(%arg0: i32) -> (i32, i32) {
    %c0_i32 = arith.constant 0 : i32
    %c0_i32_0 = arith.constant 0 : i32
    return %arg0, %c0_i32 : i32, i32
  }
  func.func @transform_2(%arg0: i32) -> (i32, i32) {
    %c0_i32 = arith.constant 0 : i32
    %c0_i32_0 = arith.constant 0 : i32
    %c0_i32_1 = arith.constant 0 : i32
    return %c0_i32, %c0_i32_0 : i32, i32
  }
}

module attributes {stable_mosaic.version = 14 : i64} {
  func.func @_combine_body(%arg0: memref<1x16x128xf32, #tpu.memory_space<vmem>>, %arg1: memref<16x128xf32, #tpu.memory_space<vmem>>, %arg2: memref<17xi32, #tpu.memory_space<smem>>, %arg3: memref<16x128xf32, #tpu.memory_space<vmem>>) attributes {dimension_semantics = [], scalar_prefetch = 0 : i64, scratch_operands = 0 : i64, tpu.core_type = #tpu.core_type<tc>} {
    %get3A = arith.constant 0 : index
    %get3A_0 = arith.constant 0 : index
    %get3A_1 = arith.constant 0 : index
    %get3A_2 = vector.load %arg0[%get3A, %get3A_0, %get3A_1] : memref<1x16x128xf32, #tpu.memory_space<vmem>>, vector<1x16x128xf32>
    %reduce_sum3A = arith.constant dense<0.000000e+00> : vector<16x128xf32>
    %reduce_sum3A_3 = vector.multi_reduction <add>, %get3A_2, %reduce_sum3A [0] : vector<1x16x128xf32> to vector<16x128xf32>
    %get3A_4 = arith.constant 0 : index
    %get3A_5 = arith.constant 0 : index
    %get3A_6 = vector.load %arg1[%get3A_4, %get3A_5] : memref<16x128xf32, #tpu.memory_space<vmem>>, vector<16x128xf32>
    %add3A = arith.addf %reduce_sum3A_3, %get3A_6 : vector<16x128xf32>
    %get3A_7 = arith.constant 1 : index
    %get3A_8 = memref.load %arg2[%get3A_7] : memref<17xi32, #tpu.memory_space<smem>>
    %get3A_9 = arith.constant 0 : index
    %get3A_10 = memref.load %arg2[%get3A_9] : memref<17xi32, #tpu.memory_space<smem>>
    %sub3A = arith.subi %get3A_8, %get3A_10 : i32
    %get3A_11 = arith.constant 2 : index
    %get3A_12 = memref.load %arg2[%get3A_11] : memref<17xi32, #tpu.memory_space<smem>>
    %get3A_13 = arith.constant 1 : index
    %get3A_14 = memref.load %arg2[%get3A_13] : memref<17xi32, #tpu.memory_space<smem>>
    %sub3A_15 = arith.subi %get3A_12, %get3A_14 : i32
    %get3A_16 = arith.constant 3 : index
    %get3A_17 = memref.load %arg2[%get3A_16] : memref<17xi32, #tpu.memory_space<smem>>
    %get3A_18 = arith.constant 2 : index
    %get3A_19 = memref.load %arg2[%get3A_18] : memref<17xi32, #tpu.memory_space<smem>>
    %sub3A_20 = arith.subi %get3A_17, %get3A_19 : i32
    %get3A_21 = arith.constant 4 : index
    %get3A_22 = memref.load %arg2[%get3A_21] : memref<17xi32, #tpu.memory_space<smem>>
    %get3A_23 = arith.constant 3 : index
    %get3A_24 = memref.load %arg2[%get3A_23] : memref<17xi32, #tpu.memory_space<smem>>
    %sub3A_25 = arith.subi %get3A_22, %get3A_24 : i32
    %get3A_26 = arith.constant 5 : index
    %get3A_27 = memref.load %arg2[%get3A_26] : memref<17xi32, #tpu.memory_space<smem>>
    %get3A_28 = arith.constant 4 : index
    %get3A_29 = memref.load %arg2[%get3A_28] : memref<17xi32, #tpu.memory_space<smem>>
    %sub3A_30 = arith.subi %get3A_27, %get3A_29 : i32
    %get3A_31 = arith.constant 6 : index
    %get3A_32 = memref.load %arg2[%get3A_31] : memref<17xi32, #tpu.memory_space<smem>>
    %get3A_33 = arith.constant 5 : index
    %get3A_34 = memref.load %arg2[%get3A_33] : memref<17xi32, #tpu.memory_space<smem>>
    %sub3A_35 = arith.subi %get3A_32, %get3A_34 : i32
    %get3A_36 = arith.constant 7 : index
    %get3A_37 = memref.load %arg2[%get3A_36] : memref<17xi32, #tpu.memory_space<smem>>
    %get3A_38 = arith.constant 6 : index
    %get3A_39 = memref.load %arg2[%get3A_38] : memref<17xi32, #tpu.memory_space<smem>>
    %sub3A_40 = arith.subi %get3A_37, %get3A_39 : i32
    %get3A_41 = arith.constant 8 : index
    %get3A_42 = memref.load %arg2[%get3A_41] : memref<17xi32, #tpu.memory_space<smem>>
    %get3A_43 = arith.constant 7 : index
    %get3A_44 = memref.load %arg2[%get3A_43] : memref<17xi32, #tpu.memory_space<smem>>
    %sub3A_45 = arith.subi %get3A_42, %get3A_44 : i32
    %get3A_46 = arith.constant 9 : index
    %get3A_47 = memref.load %arg2[%get3A_46] : memref<17xi32, #tpu.memory_space<smem>>
    %get3A_48 = arith.constant 8 : index
    %get3A_49 = memref.load %arg2[%get3A_48] : memref<17xi32, #tpu.memory_space<smem>>
    %sub3A_50 = arith.subi %get3A_47, %get3A_49 : i32
    %get3A_51 = arith.constant 10 : index
    %get3A_52 = memref.load %arg2[%get3A_51] : memref<17xi32, #tpu.memory_space<smem>>
    %get3A_53 = arith.constant 9 : index
    %get3A_54 = memref.load %arg2[%get3A_53] : memref<17xi32, #tpu.memory_space<smem>>
    %sub3A_55 = arith.subi %get3A_52, %get3A_54 : i32
    %get3A_56 = arith.constant 11 : index
    %get3A_57 = memref.load %arg2[%get3A_56] : memref<17xi32, #tpu.memory_space<smem>>
    %get3A_58 = arith.constant 10 : index
    %get3A_59 = memref.load %arg2[%get3A_58] : memref<17xi32, #tpu.memory_space<smem>>
    %sub3A_60 = arith.subi %get3A_57, %get3A_59 : i32
    %get3A_61 = arith.constant 12 : index
    %get3A_62 = memref.load %arg2[%get3A_61] : memref<17xi32, #tpu.memory_space<smem>>
    %get3A_63 = arith.constant 11 : index
    %get3A_64 = memref.load %arg2[%get3A_63] : memref<17xi32, #tpu.memory_space<smem>>
    %sub3A_65 = arith.subi %get3A_62, %get3A_64 : i32
    %get3A_66 = arith.constant 13 : index
    %get3A_67 = memref.load %arg2[%get3A_66] : memref<17xi32, #tpu.memory_space<smem>>
    %get3A_68 = arith.constant 12 : index
    %get3A_69 = memref.load %arg2[%get3A_68] : memref<17xi32, #tpu.memory_space<smem>>
    %sub3A_70 = arith.subi %get3A_67, %get3A_69 : i32
    %get3A_71 = arith.constant 14 : index
    %get3A_72 = memref.load %arg2[%get3A_71] : memref<17xi32, #tpu.memory_space<smem>>
    %get3A_73 = arith.constant 13 : index
    %get3A_74 = memref.load %arg2[%get3A_73] : memref<17xi32, #tpu.memory_space<smem>>
    %sub3A_75 = arith.subi %get3A_72, %get3A_74 : i32
    %get3A_76 = arith.constant 15 : index
    %get3A_77 = memref.load %arg2[%get3A_76] : memref<17xi32, #tpu.memory_space<smem>>
    %get3A_78 = arith.constant 14 : index
    %get3A_79 = memref.load %arg2[%get3A_78] : memref<17xi32, #tpu.memory_space<smem>>
    %sub3A_80 = arith.subi %get3A_77, %get3A_79 : i32
    %get3A_81 = arith.constant 16 : index
    %get3A_82 = memref.load %arg2[%get3A_81] : memref<17xi32, #tpu.memory_space<smem>>
    %get3A_83 = arith.constant 15 : index
    %get3A_84 = memref.load %arg2[%get3A_83] : memref<17xi32, #tpu.memory_space<smem>>
    %sub3A_85 = arith.subi %get3A_82, %get3A_84 : i32
    %stack3A = vector.broadcast %sub3A : i32 to vector<1xi32>
    %stack3A_86 = vector.broadcast %sub3A_15 : i32 to vector<1xi32>
    %stack3A_87 = vector.broadcast %sub3A_20 : i32 to vector<1xi32>
    %stack3A_88 = vector.broadcast %sub3A_25 : i32 to vector<1xi32>
    %stack3A_89 = vector.broadcast %sub3A_30 : i32 to vector<1xi32>
    %stack3A_90 = vector.broadcast %sub3A_35 : i32 to vector<1xi32>
    %stack3A_91 = vector.broadcast %sub3A_40 : i32 to vector<1xi32>
    %stack3A_92 = vector.broadcast %sub3A_45 : i32 to vector<1xi32>
    %stack3A_93 = vector.broadcast %sub3A_50 : i32 to vector<1xi32>
    %stack3A_94 = vector.broadcast %sub3A_55 : i32 to vector<1xi32>
    %stack3A_95 = vector.broadcast %sub3A_60 : i32 to vector<1xi32>
    %stack3A_96 = vector.broadcast %sub3A_65 : i32 to vector<1xi32>
    %stack3A_97 = vector.broadcast %sub3A_70 : i32 to vector<1xi32>
    %stack3A_98 = vector.broadcast %sub3A_75 : i32 to vector<1xi32>
    %stack3A_99 = vector.broadcast %sub3A_80 : i32 to vector<1xi32>
    %stack3A_100 = vector.broadcast %sub3A_85 : i32 to vector<1xi32>
    %stack3A_101 = tpu.concatenate %stack3A, %stack3A_86, %stack3A_87, %stack3A_88, %stack3A_89, %stack3A_90, %stack3A_91, %stack3A_92, %stack3A_93, %stack3A_94, %stack3A_95, %stack3A_96, %stack3A_97, %stack3A_98, %stack3A_99, %stack3A_100 in 0 : vector<1xi32>, vector<1xi32>, vector<1xi32>, vector<1xi32>, vector<1xi32>, vector<1xi32>, vector<1xi32>, vector<1xi32>, vector<1xi32>, vector<1xi32>, vector<1xi32>, vector<1xi32>, vector<1xi32>, vector<1xi32>, vector<1xi32>, vector<1xi32> -> vector<16xi32>
    %convert_element_type3A = arith.sitofp %stack3A_101 : vector<16xi32> to vector<16xf32>
    %max3A = arith.constant 1.000000e+00 : f32
    %max3A_102 = vector.broadcast %max3A : f32 to vector<16xf32>
    %max3A_103 = arith.maximumf %convert_element_type3A, %max3A_102 : vector<16xf32>
    %broadcast_in_dim3A = vector.shape_cast %max3A_103 : vector<16xf32> to vector<16x1xf32>
    %div3A = vector.broadcast %broadcast_in_dim3A : vector<16x1xf32> to vector<16x128xf32>
    %div3A_104 = arith.divf %add3A, %div3A : vector<16x128xf32>
    %swap3A = arith.constant 0 : index
    %swap3A_105 = arith.constant 0 : index
    %swap3A_106 = vector.load %arg3[%swap3A, %swap3A_105] : memref<16x128xf32, #tpu.memory_space<vmem>>, vector<16x128xf32>
    tpu.vector_store %arg3[%swap3A, %swap3A_105], %div3A_104 {strides = array<i32>} : memref<16x128xf32, #tpu.memory_space<vmem>>, vector<16x128xf32>,
    return
  }
}

</mosaic_0001>

<sc_bundles>
// kernel: kernel.5.cloned.1.call-start
scs
__scs_entry_jumppad:
0x0: {  	(pc) =	sbr.rel $0x88, $3  }
0x1: {  	(tag) =	ssettag $0x0;
	lr =	simm.s32 $0x1  }
0x2: {  	[smem:$0x3F9F] =	sst lr;
	_ =	strace $0xD0000000  }
0x3: {  	_ = 	snop  }
0x4: {  	_ = 	snop  }
0x5: {  	_ = 	snop  }
0x6: {  	_ = 	snop  }
0x7: {  	_ = 	snop  }
__scs_overlays_trampoline_lowered:
0x8: {  	[smem:$0x3FAE] =	sst s0  }
0x9: {  	[smem:$0x3FAF] =	sst s1  }
0xa: {  	[smem:$0x3FB0] =	sst s2  }
0xb: {  	[smem:$0x3FB1] =	sst s3  }
0xc: {  	[smem:$0x3FB2] =	sst s4  }
0xd: {  	[smem:$0x3FB3] =	sst s5  }
0xe: {  	[smem:$0x3FB4] =	sst s6  }
0xf: {  	[smem:$0x3FB5] =	sst s7  }
0x10: {  	[smem:$0x3FB6] =	sst s8  }
0x11: {  	[smem:$0x3FB7] =	sst s9;
	s0 =	simm.s32 @!p0 $0x0  }
0x12: {  	s1 =	sld [smem:$0x3F9D];
	s0 =	simm.s32 @p0 $0x1  }
0x13: {  	[smem:$0x3FB8] =	sst s0;
	s0 =	simm.s32 @!p1 $0x0  }
0x14: {  	s2 =	sld [smem:$0x3F9C];
	s0 =	simm.s32 @p1 $0x1  }
0x15: {  	[smem:$0x3FB9] =	sst s0;
	s0 =	simm.s32 @!p2 $0x0  }
0x16: {  	s3 =	sld [smem:$0x3FDB];
	s0 =	simm.s32 @p2 $0x1  }
0x17: {  	s4 =	simm.s32 $0x1BF5;
	[smem:$0x3FBB] =	sst s0  }
0x18: {  	s0 =	sld [smem:$0x3F9E];
	_ =	swait.ge [sflag:s4], $0x0  }
0x19: {  	s7 =	sld [smem:$0x3F9F]  }
0x1a: {  	s8 =	sadd.s32 $0xFFFFE003, lr  }
0x1b: {  	s9 =	sadd.s32 $0xFFFFFEF7, lr;
	s5 =	simm.s32 $0xFFFFFFFF;
	p2 =	slt.u32 s8, $0xFFFFF086  }
0x1c: {  	p1 =	slt.u32 s9, $0xF7A;
	s5 =	simm.s32 @!p2 $0x0  }
0x1d: {  	s5 =	simm.s32 @p1 $0x1;
	p0 =	seq.s32 s7, s2  }
0x1e: {  	s7 =	smul.u32 @!p0 $0xF7A, s2;
	p2 =	seq.s32 @!p0 s5, $0x0  }
0x1f: {  	s9 =	smul.u32 $0xF7A, s1;
	s8 =	simm.s32 @!p0 $0x1BF5;
	p2 =	por !p2, p0  }
0x20: {  	[sflag:s8] =	ssyncset.s32 @!p0 $0xFFFFF086;
	s6 =	sadd.s32 @!p0 s3, s7;
	s7 =	simm.s32 @!p0 $0x108  }
0x21: {  	s3 =	sadd.s32 s3, s9;
	s6 =	sadd.s32 @!p0 $0x88, s6;
	s7 =	simm.s32 @p2 $0x1082  }
0x22: {  	[simem:s7], [sflag:s8] =	dma.local @!p0 [hbm:s6], $0xF7A  }
0x23: {  	s9 =	sor.u32 $0xD0000000, s2;
	s6 =	simm.s32 $0x108;
	_ =	swait.ge @!p0 [sflag:s8], $0x0  }
0x24: {  	s3 =	sadd.s32 $0x88, s3;
	s6 =	simm.s32 @!p1 $0x1082;
	[sflag:s4] =	ssyncset.s32 $0xFFFFF086  }
0x25: {  	[simem:s6], [sflag:s4] =	dma.local [hbm:s3], $0xF7A  }
0x26: {  	[smem:$0x3F9F] =	sst s1;
	(tag) =	ssettag s2;
	_ =	strace s9  }
0x27: {  	s1 =	sld [smem:$0x3FAF]  }
0x28: {  	s2 =	sld [smem:$0x3FB0]  }
0x29: {  	s4 =	sld [smem:$0x3FB2]  }
0x2a: {  	p0 =	seq.s32 s5, $0x0;
	s5 =	sld [smem:$0x3FB3]  }
0x2b: {  	s6 =	sld [smem:$0x3FB4]  }
0x2c: {  	s7 =	sld [smem:$0x3FB5]  }
0x2d: {  	s3 =	simm.s32 $0x108;
	s8 =	sld [smem:$0x3FB6]  }
0x2e: {  	s3 =	simm.s32 @!p0 $0x1082;
	s9 =	sld [smem:$0x3FB7]  }
0x2f: {  	lr =	sadd.s32 s0, s3;
	s0 =	sld [smem:$0x3FAE]  }
0x30: {  	s3 =	sld [smem:$0x3FB1]  }
0x31: {  	[smem:$0x3FBA] =	sst s10  }
0x32: {  	s10 =	sld [smem:$0x3FB8];
	_ =	sdelay $0x3  }
0x33: {  	p0 =	seq.s32 s10, $0x1;
	s10 =	sld [smem:$0x3FBA];
	_ =	sdelay $0x3  }
0x34: {  	[smem:$0x3FBA] =	sst s10  }
0x35: {  	s10 =	sld [smem:$0x3FB9];
	_ =	sdelay $0x3  }
0x36: {  	p1 =	seq.s32 s10, $0x1;
	s10 =	sld [smem:$0x3FBA];
	_ =	sdelay $0x3  }
0x37: {  	[smem:$0x3FBA] =	sst s10  }
0x38: {  	s10 =	sld [smem:$0x3FBB]  }
0x39: {  	_ = 	snop;
	(pc) =	sbr.ind lr, $3  }
0x3a: {  	_ = 	snop  }
0x3b: {  	_ = 	snop  }
0x3c: {  	p2 =	seq.s32 s10, $0x1;
	s10 =	sld [smem:$0x3FBA]  }
0x3d: {  	_ =	shalt  }
0x3e: {  	_ =	shalt  }
0x3f: {  	_ =	shalt  }
0x40: {  	_ =	shalt  }
0x41: {  	_ =	shalt  }
0x42: {  	_ =	shalt  }
0x43: {  	_ =	shalt  }
0x44: {  	_ =	shalt  }
0x45: {  	_ =	shalt  }
0x46: {  	_ =	shalt  }
0x47: {  	_ =	shalt  }
0x48: {  	_ =	shalt  }
0x49: {  	_ =	shalt  }
0x4a: {  	_ =	shalt  }
0x4b: {  	_ =	shalt  }
0x4c: {  	_ =	shalt  }
0x4d: {  	_ =	shalt  }
0x4e: {  	_ =	shalt  }
0x4f: {  	_ =	shalt  }
0x50: {  	_ =	shalt  }
0x51: {  	_ =	shalt  }
0x52: {  	_ =	shalt  }
0x53: {  	_ =	shalt  }
0x54: {  	_ =	shalt  }
0x55: {  	_ =	shalt  }
0x56: {  	_ =	shalt  }
0x57: {  	_ =	shalt  }
0x58: {  	_ =	shalt  }
0x59: {  	_ =	shalt  }
0x5a: {  	_ =	shalt  }
0x5b: {  	_ =	shalt  }
0x5c: {  	_ =	shalt  }
0x5d: {  	_ =	shalt  }
0x5e: {  	_ =	shalt  }
0x5f: {  	_ =	shalt  }
0x60: {  	_ =	shalt  }
0x61: {  	_ =	shalt  }
0x62: {  	_ =	shalt  }
0x63: {  	_ =	shalt  }
0x64: {  	_ =	shalt  }
0x65: {  	_ =	shalt  }
0x66: {  	_ =	shalt  }
0x67: {  	_ =	shalt  }
0x68: {  	_ =	shalt  }
0x69: {  	_ =	shalt  }
0x6a: {  	_ =	shalt  }
0x6b: {  	_ =	shalt  }
0x6c: {  	_ =	shalt  }
0x6d: {  	_ =	shalt  }
0x6e: {  	_ =	shalt  }
0x6f: {  	_ =	shalt  }
0x70: {  	_ =	shalt  }
0x71: {  	_ =	shalt  }
0x72: {  	_ =	shalt  }
0x73: {  	_ =	shalt  }
0x74: {  	_ =	shalt  }
0x75: {  	_ =	shalt  }
0x76: {  	_ =	shalt  }
0x77: {  	_ =	shalt  }
0x78: {  	_ =	shalt  }
0x79: {  	_ =	shalt  }
0x7a: {  	_ =	shalt  }
0x7b: {  	_ =	shalt  }
0x7c: {  	_ =	shalt  }
0x7d: {  	_ =	shalt  }
0x7e: {  	_ =	shalt  }
0x7f: {  	_ =	shalt  }
0x80: {  	_ =	shalt  }
0x81: {  	_ =	shalt  }
0x82: {  	_ =	shalt  }
0x83: {  	_ =	shalt  }
0x84: {  	_ =	shalt  }
0x85: {  	_ =	shalt  }
0x86: {  	_ =	shalt  }
0x87: {  	_ =	shalt  }
.Lfunc_end0:
.L_simem_size_0:
called_computation_lowered:
.L_overlay_start_0:
0x88: {  	s0 =	sld [smem:$0x3FD9]  }
0x89: {  	s1 =	sld [smem:$0x3FFE];
	_ =	sdelay $0x3  }
0x8a: {  	s0 =	sadd.s32 s1, s0  }
0x8b: {  	[smem:$0x3FC6] =	sst s0  }
0x8c: {  	_ = 	snop  }
0x8d: {  	s0 =	sld [smem:$0x3FC9]  }
0x8e: {  	s17 =	sld [smem:$0x3FC8]  }
0x8f: {  	s2 =	sld [smem:$0x3FD0];
	(tm) =	ssettm $0x1  }
0x90: {  	s3 =	sld [smem:$0x3FFB];
	_ =	sdelay $0x3  }
0x91: {  	_ =	strace s3  }
0x92: {  	s3 =	sld [smem:$0x3FFC];
	_ =	sdelay $0x3  }
0x93: {  	_ =	strace s3  }
0x94: {  	s3 =	sld [smem:$0x3FFD];
	_ =	sdelay $0x3  }
0x95: {  	_ =	strace s3  }
0x96: {  	_ =	strace $0x8FFFFFFF  }
0x97: {  	s18 =	sld [smem:$0x3FDB];
	_ =	sdelay $0x1  }
0x98: {  	s4 =	simm.s32 $_scs_section_size  }
0x99: {  	s5 =	simm.s32 $_size__tile_overlayer_lowered;
	s6 =	simm.s32 $_tile_overlayer_lowered  }
0x9a: {  	s21 =	simm.s32 $0x1BFF;
	s20 =	sshll.u32 s6, $0x1;
	s3 =	sadd.s32 s4, s18  }
0x9b: {  	s7 =	simm.s32 $0x0;
	s19 =	sshll.u32 s5, $0x1;
	s5 =	sadd.s32 s20, s3  }
0x9c: {  	[timem:s7], [sflag:s21] =	dma.local [hbm:s5], s19  }
0x9d: {  	_ =	swait.ge [sflag:s21], s19  }
0x9e: {  	s4 =	ssub.s32 $0x0, s19;
	[sflag:s21] =	ssyncset.done $0x0  }
0x9f: {  	[sflag:s21] =	ssyncadd.s32 s4;
	_ =	sdelay $0x1  }
0xa0: {  	s22 =	simm.s32 $0x1B8B  }
0xa1: {  	_ =	swait.ge [sflag:s22], $0x1  }
0xa2: {  	[sflag:s22] =	ssyncset.done $0x0  }
0xa3: {  	s23 =	simm.s32 $0x1B8E;
	[sflag:s22] =	ssyncadd.s32 $0xFFFFFFFF  }
0xa4: {  	s24 =	simm.s32 $execute0_lowered;
	[smem:$0x3FD2] =	sst s23  }
0xa5: {  	s4 =	sshll.u32 s24, $0x1;
	_ =	strace $0x80000046;
	[dreg:$0x1] =	wrdreg $0xFFFFFFFF  }
0xa6: {  	s25 =	simm.s32 $_size_execute0_lowered;
	s3 =	sadd.s32 s3, s4;
	[dreg:$0x0] =	wrdreg $0x0  }
0xa7: {  	s4 =	sshll.u32 s25, $0x1;
	[dreg:$0x2] =	wrdreg s3  }
0xa8: {  	[dreg:$0x3] =	wrdreg s4  }
0xa9: {  	[dreg:$0x4] =	wrdreg $0xC0  }
0xaa: {  	_ =	task [dreg:s7], $0x5FFFF  }
0xab: {  	[dreg:$0x1] =	wrdreg $0xFFFFFFFF  }
0xac: {  	[dreg:$0x0] =	wrdreg $0x60  }
0xad: {  	[dreg:$0x2] =	wrdreg s0  }
0xae: {  	[dreg:$0x3] =	wrdreg s17  }
0xaf: {  	[dreg:$0x4] =	wrdreg s2  }
0xb0: {  	[dreg:$0x5] =	wrdreg $0x48800  }
0xb1: {  	[dreg:$0x6] =	wrdreg $0x9  }
0xb2: {  	_ =	task.clear_ibuf [dreg:s7], $0x7FFFF;
	_ =	strace $0x90000046  }
0xb3: {  	s26 =	simm.s32 $0x9;
	_ =	strace $0x80000048  }
0xb4: {  	_ =	swait.ge [sflag:s26], $0x1  }
0xb5: {  	[sflag:s26] =	ssyncadd.s32 $0xFFFFFFFF  }
0xb6: {  	_ =	strace $0x90000048  }
0xb7: {  	_ =	sfence  }
0xb8: {  	s28 =	sld [smem:$0x0];
	_ =	sdelay $0x1  }
0xb9: {  	s29 =	srdreg.scid  }
0xba: {  	s30 =	sshll.u32 s29, $0xD;
	s31 =	sshrl.u32 s29, $0x2  }
0xbb: {  	s1 =	sand.u32 $0x1, s29;
	s2 =	sand.u32 $0x4000, s30;
	s0 =	sadd.s32 s31, s28  }
0xbc: {  	s1 =	sor.u32 s2, s1;
	s0 =	sshll.u32 s0, $0x11  }
0xbd: {  	s0 =	sor.u32 s0, s1  }
0xbe: {  	s0 =	sadd.s32 $0x8F2B, s0  }
0xbf: {  	[sflag:s0] =	ssyncadd.remote.s32 $0x1  }
0xc0: {  	_ =	sfence.sel $0xFFFF  }
0xc1: {  	[dreg:$0x0] =	wrdreg $0xFFFFFFFF;
	(pc) =	sbr.abs _section_cstart, $3  }
0xc2: {  	[dreg:$0x1] =	wrdreg $0xFFFFFFFF  }
0xc3: {  	_ =	task.clear_ibuf [dreg:s7], $0x2FFFF;
	_ =	strace $0x9FFFFFFF  }
0xc4: {  	(tm) =	ssettm $0x7FFFFFFF  }
0xc5: {  	_ =	shalt  }
tec
execute0_lowered:
.L_overlay_start_1:
0x0: {  	(tag) =	ssettag $0x1  }
0x1: {  	s7 =	rddreg [dreg:$0x0]  }
0x2: {  	s8 =	rddreg [dreg:$0x1]  }
0x3: {  	s1 =	rddreg [dreg:$0x2];
	s6 =	stileid.u32  }
0x4: {  	s2 =	rddreg [dreg:$0x3];
	s3 =	sshll.u32 s6, $0x7  }
0x5: {  	s0 =	rddreg [dreg:$0x4];
	s4 =	simm.s32 $0x0;
	s5 =	sor.u32 $0x7800, s3  }
0x6: {  	s10 =	simm.s32 $0x80;
	[smem:$0x7FF] =	sst s4;
	s9 =	sshll.u32 s5, $0x4  }
0x7: {  	_ =	strace $0x80000047;
	s3 =	sor.u32 $0x7840, s3;
	s9 =	sadd.s32 s7, s9  }
0x8: {  	[tilespmem:s10], [sflag:$0x1] =	stream.linear.gather [hbm4b:s9+s4], $0x2000, $0x38;
	[tilespmem:$0x4900] =	vst v63  }
0x9: {  	s10 =	sshll.u32 s3, $0x4  }
0xa: {  	s11 =	simm.s32 $0x2080;
	s7 =	sadd.s32 s7, s10  }
0xb: {  	[tilespmem:s11], [sflag:$0x2] =	stream.linear.gather [hbm4b:s7+s4], $0x2000, $0x38;
	[tilespmem:$0x4900] =	vst v63  }
0xc: {  	s12 =	simm.s32 $0x3  }
0xd: {  	[tilespmem:s4], [sflag:$0x3] =	stream.linear.gather [hbm4b:s8+s4], $0x10, $0x38;
	[tilespmem:$0x4900] =	vst v63  }
0xe: {  	_ =	swait.ge [sflag:s12], $0x10  }
0xf: {  	[sflag:s12] =	ssyncset.done $0x0  }
0x10: {  	v0 =	vimm.f32 $0.0e+00;
	[sflag:s12] =	ssyncadd.s32 $0xFFFFFFF0  }
0x11: {  	[tilespmem:$0x4080] =	vst v0  }
0x12: {  	[tilespmem:$0x4090] =	vst v0  }
0x13: {  	[tilespmem:$0x40A0] =	vst v0  }
0x14: {  	[tilespmem:$0x40B0] =	vst v0  }
0x15: {  	[tilespmem:$0x40C0] =	vst v0  }
0x16: {  	[tilespmem:$0x40D0] =	vst v0  }
0x17: {  	[tilespmem:$0x40E0] =	vst v0  }
0x18: {  	[tilespmem:$0x40F0] =	vst v0  }
0x19: {  	[tilespmem:$0x4100] =	vst v0  }
0x1a: {  	[tilespmem:$0x4110] =	vst v0  }
0x1b: {  	[tilespmem:$0x4120] =	vst v0  }
0x1c: {  	[tilespmem:$0x4130] =	vst v0  }
0x1d: {  	[tilespmem:$0x4140] =	vst v0  }
0x1e: {  	[tilespmem:$0x4150] =	vst v0  }
0x1f: {  	[tilespmem:$0x4160] =	vst v0  }
0x20: {  	[tilespmem:$0x4170] =	vst v0  }
0x21: {  	[tilespmem:$0x4180] =	vst v0  }
0x22: {  	[tilespmem:$0x4190] =	vst v0  }
0x23: {  	[tilespmem:$0x41A0] =	vst v0  }
0x24: {  	[tilespmem:$0x41B0] =	vst v0  }
0x25: {  	[tilespmem:$0x41C0] =	vst v0  }
0x26: {  	[tilespmem:$0x41D0] =	vst v0  }
0x27: {  	[tilespmem:$0x41E0] =	vst v0  }
0x28: {  	[tilespmem:$0x41F0] =	vst v0  }
0x29: {  	[tilespmem:$0x4200] =	vst v0  }
0x2a: {  	[tilespmem:$0x4210] =	vst v0  }
0x2b: {  	[tilespmem:$0x4220] =	vst v0  }
0x2c: {  	[tilespmem:$0x4230] =	vst v0  }
0x2d: {  	[tilespmem:$0x4240] =	vst v0  }
0x2e: {  	[tilespmem:$0x4250] =	vst v0  }
0x2f: {  	[tilespmem:$0x4260] =	vst v0  }
0x30: {  	[tilespmem:$0x4270] =	vst v0  }
0x31: {  	[tilespmem:$0x4280] =	vst v0  }
0x32: {  	[tilespmem:$0x4290] =	vst v0  }
0x33: {  	[tilespmem:$0x42A0] =	vst v0  }
0x34: {  	[tilespmem:$0x42B0] =	vst v0  }
0x35: {  	[tilespmem:$0x42C0] =	vst v0  }
0x36: {  	[tilespmem:$0x42D0] =	vst v0  }
0x37: {  	[tilespmem:$0x42E0] =	vst v0  }
0x38: {  	[tilespmem:$0x42F0] =	vst v0  }
0x39: {  	[tilespmem:$0x4300] =	vst v0  }
0x3a: {  	[tilespmem:$0x4310] =	vst v0  }
0x3b: {  	[tilespmem:$0x4320] =	vst v0  }
0x3c: {  	[tilespmem:$0x4330] =	vst v0  }
0x3d: {  	[tilespmem:$0x4340] =	vst v0  }
0x3e: {  	[tilespmem:$0x4350] =	vst v0  }
0x3f: {  	[tilespmem:$0x4360] =	vst v0  }
0x40: {  	[tilespmem:$0x4370] =	vst v0  }
0x41: {  	[tilespmem:$0x4380] =	vst v0  }
0x42: {  	[tilespmem:$0x4390] =	vst v0  }
0x43: {  	[tilespmem:$0x43A0] =	vst v0  }
0x44: {  	[tilespmem:$0x43B0] =	vst v0  }
0x45: {  	[tilespmem:$0x43C0] =	vst v0  }
0x46: {  	[tilespmem:$0x43D0] =	vst v0  }
0x47: {  	[tilespmem:$0x43E0] =	vst v0  }
0x48: {  	[tilespmem:$0x43F0] =	vst v0  }
0x49: {  	[tilespmem:$0x4400] =	vst v0  }
0x4a: {  	[tilespmem:$0x4410] =	vst v0  }
0x4b: {  	[tilespmem:$0x4420] =	vst v0  }
0x4c: {  	[tilespmem:$0x4430] =	vst v0  }
0x4d: {  	[tilespmem:$0x4440] =	vst v0  }
0x4e: {  	[tilespmem:$0x4450] =	vst v0  }
0x4f: {  	[tilespmem:$0x4460] =	vst v0  }
0x50: {  	[tilespmem:$0x4470] =	vst v0  }
0x51: {  	[tilespmem:$0x4480] =	vst v0  }
0x52: {  	[tilespmem:$0x4490] =	vst v0  }
0x53: {  	[tilespmem:$0x44A0] =	vst v0  }
0x54: {  	[tilespmem:$0x44B0] =	vst v0  }
0x55: {  	[tilespmem:$0x44C0] =	vst v0  }
0x56: {  	[tilespmem:$0x44D0] =	vst v0  }
0x57: {  	[tilespmem:$0x44E0] =	vst v0  }
0x58: {  	[tilespmem:$0x44F0] =	vst v0  }
0x59: {  	[tilespmem:$0x4500] =	vst v0  }
0x5a: {  	[tilespmem:$0x4510] =	vst v0  }
0x5b: {  	[tilespmem:$0x4520] =	vst v0  }
0x5c: {  	[tilespmem:$0x4530] =	vst v0  }
0x5d: {  	[tilespmem:$0x4540] =	vst v0  }
0x5e: {  	[tilespmem:$0x4550] =	vst v0  }
0x5f: {  	[tilespmem:$0x4560] =	vst v0  }
0x60: {  	[tilespmem:$0x4570] =	vst v0  }
0x61: {  	[tilespmem:$0x4580] =	vst v0  }
0x62: {  	[tilespmem:$0x4590] =	vst v0  }
0x63: {  	[tilespmem:$0x45A0] =	vst v0  }
0x64: {  	[tilespmem:$0x45B0] =	vst v0  }
0x65: {  	[tilespmem:$0x45C0] =	vst v0  }
0x66: {  	[tilespmem:$0x45D0] =	vst v0  }
0x67: {  	[tilespmem:$0x45E0] =	vst v0  }
0x68: {  	[tilespmem:$0x45F0] =	vst v0  }
0x69: {  	[tilespmem:$0x4600] =	vst v0  }
0x6a: {  	[tilespmem:$0x4610] =	vst v0  }
0x6b: {  	[tilespmem:$0x4620] =	vst v0  }
0x6c: {  	[tilespmem:$0x4630] =	vst v0  }
0x6d: {  	[tilespmem:$0x4640] =	vst v0  }
0x6e: {  	[tilespmem:$0x4650] =	vst v0  }
0x6f: {  	[tilespmem:$0x4660] =	vst v0  }
0x70: {  	[tilespmem:$0x4670] =	vst v0  }
0x71: {  	[tilespmem:$0x4680] =	vst v0  }
0x72: {  	[tilespmem:$0x4690] =	vst v0  }
0x73: {  	[tilespmem:$0x46A0] =	vst v0  }
0x74: {  	[tilespmem:$0x46B0] =	vst v0  }
0x75: {  	[tilespmem:$0x46C0] =	vst v0  }
0x76: {  	[tilespmem:$0x46D0] =	vst v0  }
0x77: {  	[tilespmem:$0x46E0] =	vst v0  }
0x78: {  	[tilespmem:$0x46F0] =	vst v0  }
0x79: {  	[tilespmem:$0x4700] =	vst v0  }
0x7a: {  	[tilespmem:$0x4710] =	vst v0  }
0x7b: {  	[tilespmem:$0x4720] =	vst v0  }
0x7c: {  	[tilespmem:$0x4730] =	vst v0  }
0x7d: {  	[tilespmem:$0x4740] =	vst v0  }
0x7e: {  	v1 =	vld [tilespmem:$0x0];
	[tilespmem:$0x4750] =	vst v0  }
0x7f: {  	[tilespmem:$0x4760] =	vst v0  }
0x80: {  	[tilespmem:$0x4770] =	vst v0  }
0x81: {  	[tilespmem:$0x4780] =	vst v0  }
0x82: {  	[tilespmem:$0x4790] =	vst v0  }
0x83: {  	[tilespmem:$0x47A0] =	vst v0;
	(v2sf) =	vpush v1, $0x0  }
0x84: {  	[tilespmem:$0x47B0] =	vst v0;
	(v2sf) =	vpush v1, $0x1  }
0x85: {  	[tilespmem:$0x47C0] =	vst v0;
	(v2sf) =	vpush v1, $0x2  }
0x86: {  	[tilespmem:$0x47D0] =	vst v0;
	(v2sf) =	vpush v1, $0x3  }
0x87: {  	[tilespmem:$0x47E0] =	vst v0;
	(v2sf) =	vpush v1, $0x4  }
0x88: {  	[tilespmem:$0x47F0] =	vst v0;
	(v2sf) =	vpush v1, $0x5  }
0x89: {  	[tilespmem:$0x4800] =	vst v0;
	(v2sf) =	vpush v1, $0x6  }
0x8a: {  	[tilespmem:$0x4810] =	vst v0;
	(v2sf) =	vpush v1, $0x7  }
0x8b: {  	[tilespmem:$0x4820] =	vst v0;
	(v2sf) =	vpush v1, $0x8  }
0x8c: {  	[tilespmem:$0x4830] =	vst v0;
	(v2sf) =	vpush v1, $0x9  }
0x8d: {  	[tilespmem:$0x4840] =	vst v0;
	(v2sf) =	vpush v1, $0xA  }
0x8e: {  	[tilespmem:$0x4850] =	vst v0;
	(v2sf) =	vpush v1, $0xB  }
0x8f: {  	p0 =	sne.s32 s6, $0x0;
	[tilespmem:$0x4860] =	vst v0;
	(v2sf) =	vpush v1, $0xC  }
0x90: {  	s7 =	simm.s32 @!p0 $0x4080;
	[tilespmem:$0x4870] =	vst v0;
	(v2sf) =	vpush v1, $0xD  }
0x91: {  	[spmem:s2] =	stream.linear.scatter @!p0 [tilespmem:s7], [sflag:$0x3], $0x800, $0x38;
	(v2sf) =	vpush v1, $0xE;
	[tilespmem:$0x4900] =	vst v63  }
0x92: {  	(v2sf) =	vpush v1, $0xF;
	s13 =	spop (v2sf)  }
0x93: {  	s14 =	spop (v2sf);
	[smem:$0x0] =	sst s13  }
0x94: {  	s15 =	spop (v2sf);
	[smem:$0x1] =	sst s14  }
0x95: {  	s16 =	spop (v2sf);
	[smem:$0x2] =	sst s15  }
0x96: {  	s17 =	spop (v2sf);
	[smem:$0x3] =	sst s16  }
0x97: {  	s18 =	spop (v2sf);
	[smem:$0x4] =	sst s17  }
0x98: {  	s19 =	spop (v2sf);
	[smem:$0x5] =	sst s18  }
0x99: {  	s20 =	spop (v2sf);
	[smem:$0x6] =	sst s19  }
0x9a: {  	s21 =	spop (v2sf);
	[smem:$0x7] =	sst s20  }
0x9b: {  	s22 =	spop (v2sf);
	[smem:$0x8] =	sst s21  }
0x9c: {  	s23 =	spop (v2sf);
	[smem:$0x9] =	sst s22  }
0x9d: {  	s24 =	spop (v2sf);
	[smem:$0xA] =	sst s23  }
0x9e: {  	s25 =	spop (v2sf);
	[smem:$0xB] =	sst s24  }
0x9f: {  	s26 =	spop (v2sf);
	[smem:$0xC] =	sst s25  }
0xa0: {  	s28 =	spop (v2sf);
	[smem:$0xD] =	sst s26  }
0xa1: {  	[smem:$0xE] =	sst s28;
	s29 =	spop (v2sf)  }
0xa2: {  	s30 =	simm.s32 $0x8000;
	[smem:$0xF] =	sst s29  }
0xa3: {  	s6 =	simm.s32 @!p0 $0x3;
	[smem:$0x10] =	sst s30  }
0xa4: {  	_ =	swait.ge @!p0 [sflag:s6], $0x800  }
0xa5: {  	[sflag:s6] =	ssyncset.done @!p0 $0x0  }
.Ltmp0:
0xa6: {  	[sflag:s6] =	ssyncadd.s32 @!p0 $0xFFFFF800;
	(pc) =	sbr.rel .LBB2_1-.Ltmp0, $4  }
0xa7: {  	s31 =	simm.s32 $0x1;
	[bflag:$0x0] =	sbarrier.arrive $0xFFFF  }
0xa8: {  	_ =	swait.ge [sflag:s31], $0x2000  }
0xa9: {  	[sflag:s31] =	ssyncset.done $0x0  }
0xaa: {  	[sflag:s31] =	ssyncadd.s32 $0xFFFFE000  }
.LBB2_3:
0xab: {  	v6 =	vimm.f32 $0.0e+00;
	v10 =	vimm.f32 $0.0e+00  }
0xac: {  	v11 =	vimm.f32 $0.0e+00;
	v13 =	vimm.f32 $0.0e+00;
	v1 =	vimm.f32 $0.0e+00  }
0xad: {  	v3 =	vimm.f32 $0.0e+00;
	v4 =	vimm.f32 $0.0e+00;
	v5 =	vimm.f32 $0.0e+00  }
.LBB2_7:
0xae: {  	v14 =	vld [tilespmem:s6+$0xFFFFFFD0]  }
0xaf: {  	v15 =	vld [tilespmem:s6+$0xFFFFFFE0]  }
0xb0: {  	v16 =	vld [tilespmem:s6+$0xFFFFFFF0]  }
0xb1: {  	v17 =	vld [tilespmem:s6+$0x0]  }
0xb2: {  	v18 =	vld [tilespmem:s6+$0x10]  }
0xb3: {  	v19 =	vld [tilespmem:s6+$0xFFFFFFC0];
	s7 =	sshll.u32 s4, $0x7  }
0xb4: {  	v20 =	vld [tilespmem:s6+$0x20];
	s31 =	sand.u32 $0x3FFFFF80, s7  }
0xb5: {  	v12 =	vadd.f32 @p1 v12, v13;
	v52 =	vld [tilespmem:s31+$0x4080]  }
0xb6: {  	v21 =	vld [tilespmem:s31+$0x4090]  }
0xb7: {  	v6 =	vadd.f32 @p1 v9, v6;
	v53 =	vpsel p1, v12, v0;
	v54 =	vld [tilespmem:s31+$0x40A0]  }
0xb8: {  	v7 =	vadd.f32 @p1 v7, v10;
	v55 =	vld [tilespmem:s31+$0x40B0];
	v9 =	vadd.f32 v19, v53  }
0xb9: {  	v8 =	vadd.f32 @p1 v8, v11;
	v56 =	vld [tilespmem:s31+$0x40C0];
	v3 =	vadd.f32 v14, v3  }
0xba: {  	v57 =	vld [tilespmem:s31+$0x40D0];
	v4 =	vadd.f32 v15, v4;
	v9 =	vadd.f32 v52, v9  }
0xbb: {  	v6 =	vpsel p1, v6, v0;
	v58 =	vld [tilespmem:s31+$0x40E0];
	v5 =	vadd.f32 v16, v5;
	v3 =	vadd.f32 v21, v3  }
0xbc: {  	v7 =	vpsel p1, v7, v0;
	v59 =	vld [tilespmem:s31+$0x40F0];
	v6 =	vadd.f32 v17, v6;
	v4 =	vadd.f32 v54, v4;
	[tilespmem:s31+$0x4080] =	vst v9  }
0xbd: {  	v60 =	vpsel p1, v8, v0;
	v7 =	vadd.f32 v18, v7;
	v61 =	vadd.f32 v55, v5;
	[tilespmem:s31+$0x4090] =	vst v3  }
0xbe: {  	v0 =	vadd.f32 v20, v60;
	v62 =	vadd.f32 v56, v6;
	[tilespmem:s31+$0x40A0] =	vst v4  }
0xbf: {  	v1 =	vadd.f32 v2, v1;
	v63 =	vadd.f32 v57, v7;
	[tilespmem:s31+$0x40B0] =	vst v61  }
0xc0: {  	v0 =	vadd.f32 v58, v0;
	[tilespmem:s31+$0x40C0] =	vst v62  }
0xc1: {  	v1 =	vadd.f32 v59, v1;
	[tilespmem:s31+$0x40D0] =	vst v63  }
0xc2: {  	[tilespmem:s31+$0x40E0] =	vst v0  }
0xc3: {  	[tilespmem:s31+$0x40F0] =	vst v1  }
.LBB2_8:
0xc4: {  	s4 =	sadd.s32 $0x1, s4  }
0xc5: {  	p1 =	sne.s32 s4, $0x10  }
.Ltmp1:
0xc6: {  	_ = 	snop;
	(pc) =	sbr.rel @!p1 .LBB2_9-.Ltmp1, $1  }
0xc7: {  	_ =	sdelay $0x3  }
.LBB2_1:
0xc8: {  	s6 =	sld [smem:s4+$0x1]  }
0xc9: {  	s7 =	sld [smem:s4+$0x0];
	_ =	sdelay $0x1  }
0xca: {  	s8 =	ssub.s32 s6, s5  }
0xcb: {  	s6 =	ssub.s32 s7, s5;
	p1 =	sgt.s32 s8, $0x0  }
0xcc: {  	p2 =	sgt.s32 s6, $0x0;
	s8 =	simm.s32 @!p1 $0x0  }
0xcd: {  	s6 =	simm.s32 @!p2 $0x0;
	s7 =	smin.u32 s8, $0x40  }
0xce: {  	p1 =	sle.u32 s7, s6  }
.Ltmp2:
0xcf: {  	_ = 	snop;
	(pc) =	sbr.rel @p1 .LBB2_8-.Ltmp2, $1  }
0xd0: {  	_ =	sdelay $0x3  }
0xd1: {  	s7 =	ssub.s32 s7, s6  }
0xd2: {  	p2 =	sne.s32 s7, $0x1  }
.Ltmp3:
0xd3: {  	_ = 	snop;
	(pc) =	sbr.rel @!p2 .LBB2_3-.Ltmp3, $4  }
0xd4: {  	s8 =	sshll.u32 s6, $0x9  }
0xd5: {  	s31 =	sshra.s32 s8, $0x2  }
0xd6: {  	s6 =	sadd.s32 $0xC0, s31  }
0xd7: {  	v0 =	vimm.f32 $0.0e+00;
	p1 =	por $0x0, $0x0;
	s7 =	sadd.s32 $0xFFFFFFFF, s7;
	v2 =	vld [tilespmem:s6+$0x30]  }
0xd8: {  	v3 =	vld [tilespmem:s6+$0xFFFFFFD0]  }
0xd9: {  	v4 =	vld [tilespmem:s6+$0xFFFFFFE0]  }
0xda: {  	v5 =	vld [tilespmem:s6+$0xFFFFFFF0];
	p2 =	sne.s32 s7, $0x1  }
.Ltmp4:
0xdb: {  	v9 =	vld [tilespmem:s6+$0x0];
	(pc) =	sbr.rel @!p2 .LBB2_5-.Ltmp4, $4  }
0xdc: {  	v7 =	vld [tilespmem:s6+$0x10]  }
0xdd: {  	v8 =	vld [tilespmem:s6+$0x20];
	v6 =	vimm.f32 $0.0e+00;
	v10 =	vimm.f32 $0.0e+00  }
0xde: {  	v12 =	vld [tilespmem:s6+$0xFFFFFFC0];
	s6 =	sadd.s32 $0x80, s6;
	v11 =	vimm.f32 $0.0e+00;
	v1 =	vadd.f32 v2, v0;
	v3 =	vadd.f32 v3, v0  }
0xdf: {  	s7 =	sadd.s32 $0xFFFFFFFF, s7;
	p1 =	por $0x1, $0x1;
	v13 =	vimm.f32 $0.0e+00;
	v2 =	vld [tilespmem:s6+$0x30];
	v4 =	vadd.f32 v4, v0;
	v5 =	vadd.f32 v5, v0  }
.LBB2_6:
0xe0: {  	p2 =	sne.s32 s7, $0x1;
	v14 =	vld [tilespmem:s6+$0xFFFFFFD0];
	v6 =	vadd.f32 v9, v6  }
0xe1: {  	v10 =	vadd.f32 v7, v10;
	v15 =	vld [tilespmem:s6+$0xFFFFFFE0]  }
0xe2: {  	v11 =	vadd.f32 v8, v11;
	v16 =	vld [tilespmem:s6+$0xFFFFFFF0]  }
.Ltmp5:
0xe3: {  	v13 =	vadd.f32 v12, v13;
	v9 =	vld [tilespmem:s6+$0x0];
	(pc) =	sbr.rel @p2 .LBB2_6-.Ltmp5, $4  }
0xe4: {  	v1 =	vadd.f32 v2, v1;
	v7 =	vld [tilespmem:s6+$0x10]  }
0xe5: {  	v3 =	vadd.f32 v14, v3;
	v8 =	vld [tilespmem:s6+$0x20]  }
0xe6: {  	v12 =	vld [tilespmem:s6+$0xFFFFFFC0];
	v4 =	vadd.f32 v15, v4;
	s6 =	sadd.s32 $0x80, s6  }
0xe7: {  	s7 =	sadd.s32 $0xFFFFFFFF, s7;
	v2 =	vld [tilespmem:s6+$0x30];
	v5 =	vadd.f32 v16, v5  }
.Ltmp6:
0xe8: {  	_ = 	snop;
	(pc) =	sbr.rel .LBB2_7-.Ltmp6, $1  }
0xe9: {  	_ =	sdelay $0x3  }
.LBB2_5:
.Ltmp7:
0xea: {  	(pc) =	sbr.rel .LBB2_7-.Ltmp7, $3  }
0xeb: {  	_ =	sdelay $0x1  }
0xec: {  	v6 =	vimm.f32 $0.0e+00  }
0xed: {  	v10 =	vimm.f32 $0.0e+00;
	v11 =	vimm.f32 $0.0e+00;
	v13 =	vimm.f32 $0.0e+00  }
.LBB2_9:
.Ltmp8:
0xee: {  	(pc) =	sbr.rel .LBB2_10-.Ltmp8, $4  }
0xef: {  	s4 =	simm.s32 $0x2  }
0xf0: {  	_ =	swait.ge [sflag:s4], $0x2000  }
0xf1: {  	[sflag:s4] =	ssyncset.done $0x0  }
0xf2: {  	[sflag:s4] =	ssyncadd.s32 $0xFFFFE000;
	s4 =	simm.s32 $0x0  }
.LBB2_12:
0xf3: {  	v6 =	vimm.f32 $0.0e+00;
	v10 =	vimm.f32 $0.0e+00  }
0xf4: {  	v11 =	vimm.f32 $0.0e+00;
	v13 =	vimm.f32 $0.0e+00;
	v1 =	vimm.f32 $0.0e+00  }
0xf5: {  	v3 =	vimm.f32 $0.0e+00;
	v4 =	vimm.f32 $0.0e+00;
	v5 =	vimm.f32 $0.0e+00  }
.LBB2_16:
0xf6: {  	v14 =	vld [tilespmem:s5+$0xFFFFFFD0]  }
0xf7: {  	v15 =	vld [tilespmem:s5+$0xFFFFFFE0]  }
0xf8: {  	v16 =	vld [tilespmem:s5+$0xFFFFFFF0]  }
0xf9: {  	v17 =	vld [tilespmem:s5+$0x0]  }
0xfa: {  	v18 =	vld [tilespmem:s5+$0x10]  }
0xfb: {  	v19 =	vld [tilespmem:s5+$0xFFFFFFC0];
	s6 =	sshll.u32 s4, $0x7  }
0xfc: {  	v20 =	vld [tilespmem:s5+$0x20];
	s31 =	sand.u32 $0x3FFFFF80, s6  }
0xfd: {  	v12 =	vadd.f32 @p1 v12, v13;
	v52 =	vld [tilespmem:s31+$0x4080]  }
0xfe: {  	v21 =	vld [tilespmem:s31+$0x4090]  }
0xff: {  	v6 =	vadd.f32 @p1 v9, v6;
	v53 =	vpsel p1, v12, v0;
	v54 =	vld [tilespmem:s31+$0x40A0]  }
0x100: {  	v7 =	vadd.f32 @p1 v7, v10;
	v55 =	vld [tilespmem:s31+$0x40B0];
	v9 =	vadd.f32 v19, v53  }
0x101: {  	v8 =	vadd.f32 @p1 v8, v11;
	v56 =	vld [tilespmem:s31+$0x40C0];
	v3 =	vadd.f32 v14, v3  }
0x102: {  	v57 =	vld [tilespmem:s31+$0x40D0];
	v4 =	vadd.f32 v15, v4;
	v9 =	vadd.f32 v52, v9  }
0x103: {  	v6 =	vpsel p1, v6, v0;
	v58 =	vld [tilespmem:s31+$0x40E0];
	v5 =	vadd.f32 v16, v5;
	v3 =	vadd.f32 v21, v3  }
0x104: {  	v7 =	vpsel p1, v7, v0;
	v59 =	vld [tilespmem:s31+$0x40F0];
	v6 =	vadd.f32 v17, v6;
	v4 =	vadd.f32 v54, v4;
	[tilespmem:s31+$0x4080] =	vst v9  }
0x105: {  	v60 =	vpsel p1, v8, v0;
	v7 =	vadd.f32 v18, v7;
	v61 =	vadd.f32 v55, v5;
	[tilespmem:s31+$0x4090] =	vst v3  }
0x106: {  	v0 =	vadd.f32 v20, v60;
	v62 =	vadd.f32 v56, v6;
	[tilespmem:s31+$0x40A0] =	vst v4  }
0x107: {  	v1 =	vadd.f32 v2, v1;
	v63 =	vadd.f32 v57, v7;
	[tilespmem:s31+$0x40B0] =	vst v61  }
0x108: {  	v0 =	vadd.f32 v58, v0;
	[tilespmem:s31+$0x40C0] =	vst v62  }
0x109: {  	v1 =	vadd.f32 v59, v1;
	[tilespmem:s31+$0x40D0] =	vst v63  }
0x10a: {  	[tilespmem:s31+$0x40E0] =	vst v0  }
0x10b: {  	[tilespmem:s31+$0x40F0] =	vst v1  }
.LBB2_17:
0x10c: {  	s4 =	sadd.s32 $0x1, s4  }
0x10d: {  	p1 =	sne.s32 s4, $0x10  }
.Ltmp9:
0x10e: {  	_ = 	snop;
	(pc) =	sbr.rel @!p1 .LBB2_18-.Ltmp9, $1  }
0x10f: {  	_ =	sdelay $0x3  }
.LBB2_10:
0x110: {  	s5 =	sld [smem:s4+$0x1]  }
0x111: {  	s6 =	sld [smem:s4+$0x0];
	_ =	sdelay $0x1  }
0x112: {  	s7 =	ssub.s32 s5, s3  }
0x113: {  	s5 =	ssub.s32 s6, s3;
	p1 =	sgt.s32 s7, $0x0  }
0x114: {  	p2 =	sgt.s32 s5, $0x0;
	s7 =	simm.s32 @!p1 $0x0  }
0x115: {  	s5 =	simm.s32 @!p2 $0x0;
	s6 =	smin.u32 s7, $0x40  }
0x116: {  	p1 =	sle.u32 s6, s5  }
.Ltmp10:
0x117: {  	_ = 	snop;
	(pc) =	sbr.rel @p1 .LBB2_17-.Ltmp10, $1  }
0x118: {  	_ =	sdelay $0x3  }
0x119: {  	s6 =	ssub.s32 s6, s5  }
0x11a: {  	p2 =	sne.s32 s6, $0x1  }
.Ltmp11:
0x11b: {  	_ = 	snop;
	(pc) =	sbr.rel @!p2 .LBB2_12-.Ltmp11, $4  }
0x11c: {  	s7 =	sshll.u32 s5, $0x9  }
0x11d: {  	s31 =	sshra.s32 s7, $0x2  }
0x11e: {  	s5 =	sadd.s32 $0x20C0, s31  }
0x11f: {  	v0 =	vimm.f32 $0.0e+00;
	p1 =	por $0x0, $0x0;
	s6 =	sadd.s32 $0xFFFFFFFF, s6;
	v2 =	vld [tilespmem:s5+$0x30]  }
0x120: {  	v3 =	vld [tilespmem:s5+$0xFFFFFFD0]  }
0x121: {  	v4 =	vld [tilespmem:s5+$0xFFFFFFE0]  }
0x122: {  	v5 =	vld [tilespmem:s5+$0xFFFFFFF0];
	p2 =	sne.s32 s6, $0x1  }
.Ltmp12:
0x123: {  	v9 =	vld [tilespmem:s5+$0x0];
	(pc) =	sbr.rel @!p2 .LBB2_14-.Ltmp12, $4  }
0x124: {  	v7 =	vld [tilespmem:s5+$0x10]  }
0x125: {  	v8 =	vld [tilespmem:s5+$0x20];
	v6 =	vimm.f32 $0.0e+00;
	v10 =	vimm.f32 $0.0e+00  }
0x126: {  	v12 =	vld [tilespmem:s5+$0xFFFFFFC0];
	s5 =	sadd.s32 $0x80, s5;
	v11 =	vimm.f32 $0.0e+00;
	v1 =	vadd.f32 v2, v0;
	v3 =	vadd.f32 v3, v0  }
0x127: {  	s6 =	sadd.s32 $0xFFFFFFFF, s6;
	p1 =	por $0x1, $0x1;
	v13 =	vimm.f32 $0.0e+00;
	v2 =	vld [tilespmem:s5+$0x30];
	v4 =	vadd.f32 v4, v0;
	v5 =	vadd.f32 v5, v0  }
.LBB2_15:
0x128: {  	p2 =	sne.s32 s6, $0x1;
	v14 =	vld [tilespmem:s5+$0xFFFFFFD0];
	v6 =	vadd.f32 v9, v6  }
0x129: {  	v10 =	vadd.f32 v7, v10;
	v15 =	vld [tilespmem:s5+$0xFFFFFFE0]  }
0x12a: {  	v11 =	vadd.f32 v8, v11;
	v16 =	vld [tilespmem:s5+$0xFFFFFFF0]  }
.Ltmp13:
0x12b: {  	v13 =	vadd.f32 v12, v13;
	v9 =	vld [tilespmem:s5+$0x0];
	(pc) =	sbr.rel @p2 .LBB2_15-.Ltmp13, $4  }
0x12c: {  	v1 =	vadd.f32 v2, v1;
	v7 =	vld [tilespmem:s5+$0x10]  }
0x12d: {  	v3 =	vadd.f32 v14, v3;
	v8 =	vld [tilespmem:s5+$0x20]  }
0x12e: {  	v12 =	vld [tilespmem:s5+$0xFFFFFFC0];
	v4 =	vadd.f32 v15, v4;
	s5 =	sadd.s32 $0x80, s5  }
0x12f: {  	s6 =	sadd.s32 $0xFFFFFFFF, s6;
	v2 =	vld [tilespmem:s5+$0x30];
	v5 =	vadd.f32 v16, v5  }
.Ltmp14:
0x130: {  	_ = 	snop;
	(pc) =	sbr.rel .LBB2_16-.Ltmp14, $1  }
0x131: {  	_ =	sdelay $0x3  }
.LBB2_14:
.Ltmp15:
0x132: {  	(pc) =	sbr.rel .LBB2_16-.Ltmp15, $3  }
0x133: {  	_ =	sdelay $0x1  }
0x134: {  	v6 =	vimm.f32 $0.0e+00  }
0x135: {  	v10 =	vimm.f32 $0.0e+00;
	v11 =	vimm.f32 $0.0e+00;
	v13 =	vimm.f32 $0.0e+00  }
.LBB2_18:
0x136: {  	v0 =	vlaneseq.u32;
	_ =	sdelay $0x3  }
0x137: {  	vm0 =	vmmov $0xffff;
	s3 =	simm.s32 $0x4080;
	s31 =	simm.s32 $0x3  }
0x138: {  	[spmem:s2] =	stream.indirect_vreg.scatter.add.f32 [tilespmem:s3], [sflag:$0x3], $0x80, v0, vm0, $0xb8;
	[tilespmem:$0x4900] =	vst v63  }
0x139: {  	_ =	swait.ge [sflag:s31], $0x800  }
0x13a: {  	[sflag:s31] =	ssyncset.done $0x0  }
0x13b: {  	[sflag:s31] =	ssyncadd.s32 $0xFFFFF800  }
0x13c: {  	[bflag:$0x0] =	sbarrier.arrive $0xFFFF  }
0x13d: {  	_ =	sfence.sel @p0 $0x180000  }
0x13e: {  	[bflag:$0x0] =	sbarrier.arrive @p0 $0xFFFF  }
0x13f: {  	_ =	strace @p0 $0x90000047  }
0x140: {  	s2 =	sshrl.u32 @!p0 s2, $0x3;
	s3 =	simm.s32 @!p0 $0x1C03;
	[bflag:$0x2] =	sbarrier.arrive @p0 $0xFFFF  }
0x141: {  	[hbm:s1], [sflag:s3] =	dma.local @!p0 [spmem:s2], $0x100  }
0x142: {  	s1 =	simm.s32 @!p0 $0x3  }
0x143: {  	_ =	swait.ge @!p0 [sflag:s1], $0x100  }
0x144: {  	[sflag:s1] =	ssyncset.done @!p0 $0x0  }
0x145: {  	[sflag:s1] =	ssyncadd.s32 @!p0 $0xFFFFFF00  }
0x146: {  	_ =	sfence.sel @!p0 $0x180000  }
0x147: {  	[bflag:$0x0] =	sbarrier.arrive @!p0 $0xFFFF  }
0x148: {  	_ =	strace @!p0 $0x90000047  }
0x149: {  	s0 =	sadd.s32 @!p0 $0x100000, s0;
	[bflag:$0x2] =	sbarrier.arrive @!p0 $0xFFFF  }
0x14a: {  	[sflag:s0] =	ssyncadd.tile.s32 @!p0 $0x1;
	_ =	shalt  }
.Lfunc_end2:
_tile_overlayer_lowered:
.L_overlay_start_2:
0x14b: {  	(tag) =	ssettag $0x2  }
0x14c: {  	s0 =	rddreg [dreg:$0x0];
	s2 =	stileid.u32  }
0x14d: {  	s1 =	rddreg [dreg:$0x1];
	p0 =	sne.s32 s2, $0x0  }
0x14e: {  	s3 =	rddreg [dreg:$0x2];
	[bflag:$0x3] =	sbarrier.arrive $0xFFFF;
	s2 =	simm.s32 @!p0 $0x1C03  }
0x14f: {  	[timem:s3], [sflag:s2] =	dma.local @!p0 [hbm:s0], s1  }
0x150: {  	s0 =	simm.s32 @!p0 $0x3  }
0x151: {  	_ =	swait.ge @!p0 [sflag:s0], s1  }
0x152: {  	s1 =	ssub.s32 @!p0 $0x0, s1;
	[sflag:s0] =	ssyncset.done @!p0 $0x0  }
0x153: {  	[sflag:s0] =	ssyncadd.s32 @!p0 s1  }
0x154: {  	[bflag:$0x3] =	sbarrier.arrive $0xFFFF  }
0x155: {  	_ =	shalt  }

</sc_bundles>
